<compile_context>
chip_gen: v7x
topology: tpu7x:2x2x1
jax: 0.10.2.dev20260603
libtpu: 0.0.44.dev20260713+nightly
codegen_flags: <defaults>
</compile_context>

<pallas_src>
import functools

import jax
import jax.numpy as jnp
from jax import lax
from jax.experimental import pallas as pl
from jax.experimental.pallas import tpu as pltpu
from jax.experimental.pallas import tpu_sc as plsc

N = 10000
E = 320000
D = 128
NC = 2
NS = 16
NW = NC * NS
N_PAD = 10240
CH = 128
NPH = 2
PHR = 40
NCH = NPH * PHR
EPW = NCH * CH
RPT = N_PAD // NS
TB = 1024


def _sc_aggregate(with_cnt: bool):
    mesh = plsc.VectorSubcoreMesh(core_axis_name="c", subcore_axis_name="s")
    out_type = [jax.ShapeDtypeStruct((NC, N_PAD, D), jnp.float32)]
    scratch = [
        pltpu.VMEM((PHR, CH), jnp.int32),
        pltpu.VMEM((PHR, CH), jnp.int32),
        pltpu.VMEM((2, CH, D), jnp.float32),
        pltpu.VMEM_SHARED((N_PAD, D), jnp.float32),
        pltpu.SemaphoreType.DMA,
        pltpu.SemaphoreType.DMA,
    ]
    if with_cnt:
        out_type.append(jax.ShapeDtypeStruct((NC, N_PAD), jnp.float32))
        scratch += [
            pltpu.VMEM((CH,), jnp.float32),
            pltpu.VMEM_SHARED((N_PAD,), jnp.float32),
            pltpu.SemaphoreType.DMA,
        ]

    def body(x_hbm, src_hbm, dst_hbm, z2_hbm, z1_hbm, o1_hbm,
             out_agg, *rest):
        if with_cnt:
            (out_cnt, src_v, dst_v, rows_v, acc_sh, sem_g, sem_s,
             ones_v, cnt_sh, sem_c) = rest
        else:
            src_v, dst_v, rows_v, acc_sh, sem_g, sem_s = rest
        cid = lax.axis_index("c")
        sid = lax.axis_index("s")
        wid = cid * NS + sid
        pltpu.sync_copy(z2_hbm, acc_sh.at[pl.ds(sid * RPT, RPT)])
        if with_cnt:
            pltpu.sync_copy(z1_hbm, cnt_sh.at[pl.ds(sid * RPT, RPT)])
            pltpu.sync_copy(o1_hbm, ones_v)
        plsc.subcore_barrier()

        for p in range(NPH):
            pltpu.sync_copy(src_hbm.at[wid, pl.ds(p * PHR, PHR)], src_v)
            pltpu.sync_copy(dst_hbm.at[wid, pl.ds(p * PHR, PHR)], dst_v)
            pltpu.async_copy(x_hbm.at[src_v.at[0]], rows_v.at[0], sem_g)

            def step(j, carry):
                b = lax.rem(j, 2)
                nb = lax.rem(j + 1, 2)
                pltpu.make_async_copy(x_hbm.at[src_v.at[j]],
                                      rows_v.at[b], sem_g).wait()
                pltpu.async_copy(rows_v.at[b], acc_sh.at[dst_v.at[j]],
                                 sem_s, add=True)

                @pl.when(j + 1 < PHR)
                def _():
                    pltpu.async_copy(x_hbm.at[src_v.at[j + 1]],
                                     rows_v.at[nb], sem_g)

                if with_cnt:
                    pltpu.async_copy(ones_v, cnt_sh.at[dst_v.at[j]],
                                     sem_c, add=True)
                return carry

            lax.fori_loop(0, PHR, step, 0)
            pltpu.make_async_copy(x_hbm.at[pl.ds(0, PHR * CH)],
                                  acc_sh.at[pl.ds(0, PHR * CH)],
                                  sem_s).wait()
            if with_cnt:
                pltpu.make_async_copy(dst_hbm.at[wid, pl.ds(0, PHR)],
                                      src_v, sem_c).wait()
        plsc.subcore_barrier()
        pltpu.sync_copy(acc_sh.at[pl.ds(sid * RPT, RPT)],
                        out_agg.at[cid, pl.ds(sid * RPT, RPT)])
        if with_cnt:
            pltpu.sync_copy(cnt_sh.at[pl.ds(sid * RPT, RPT)],
                            out_cnt.at[cid, pl.ds(sid * RPT, RPT)])

    return pl.kernel(body, out_type=out_type, mesh=mesh,
                     scratch_types=scratch)


def _tc_layer(relu: bool):

    def body(a0, a1, c0, c1, x, wl, wr, b, o):
        asum = a0[0] + a1[0]
        cs = jnp.maximum(c0[0] + c1[0], 1.0)
        mean = asum / cs
        r = (jnp.dot(mean, wl[...], preferred_element_type=jnp.float32)
             + jnp.dot(x[...], wr[...], preferred_element_type=jnp.float32)
             + b[...])
        o[...] = jnp.maximum(r, 0.0) if relu else r

    grid = (N_PAD // TB,)
    return pl.pallas_call(
        body,
        grid=grid,
        in_specs=[
            pl.BlockSpec((1, TB, D), lambda i: (0, i, 0)),
            pl.BlockSpec((1, TB, D), lambda i: (1, i, 0)),
            pl.BlockSpec((1, TB, 1), lambda i: (0, i, 0)),
            pl.BlockSpec((1, TB, 1), lambda i: (1, i, 0)),
            pl.BlockSpec((TB, D), lambda i: (i, 0)),
            pl.BlockSpec((D, D), lambda i: (0, 0)),
            pl.BlockSpec((D, D), lambda i: (0, 0)),
            pl.BlockSpec((1, D), lambda i: (0, 0)),
        ],
        out_specs=pl.BlockSpec((TB, D), lambda i: (i, 0)),
        out_shape=jax.ShapeDtypeStruct((N_PAD, D), jnp.float32),
    )


_sc_agg_cnt = _sc_aggregate(with_cnt=True)
_sc_agg = _sc_aggregate(with_cnt=False)
_tc_layer1 = _tc_layer(relu=True)
_tc_layer2 = _tc_layer(relu=False)


def kernel(x, edge_index, W1l, b1, W1r, W2l, b2, W2r):
    xp = jnp.pad(x.astype(jnp.float32), ((0, N_PAD - N), (0, 0)))
    src = edge_index[0].astype(jnp.int32).reshape(NW, E // NW)
    dst = edge_index[1].astype(jnp.int32).reshape(NW, E // NW)
    padw = EPW - E // NW
    pad_src = jnp.broadcast_to(jnp.arange(padw, dtype=jnp.int32) % N,
                               (NW, padw))
    pad_dst = jnp.broadcast_to(
        N + jnp.arange(padw, dtype=jnp.int32) % (N_PAD - N), (NW, padw))
    src = jnp.concatenate([src, pad_src], axis=1).reshape(NW, NCH, CH)
    dst = jnp.concatenate([dst, pad_dst], axis=1).reshape(NW, NCH, CH)
    z2 = jnp.zeros((RPT, D), jnp.float32)
    z1 = jnp.zeros((RPT,), jnp.float32)
    o1 = jnp.ones((CH,), jnp.float32)

    agg1, cnt = _sc_agg_cnt(xp, src, dst, z2, z1, o1)
    cntc = cnt.reshape(NC, N_PAD, 1)
    w1l_t = W1l.T
    w1r_t = W1r.T
    h = _tc_layer1(agg1, agg1, cntc, cntc, xp, w1l_t, w1r_t,
                   b1.reshape(1, D))
    (agg2,) = _sc_agg(h, src, dst, z2, z1, o1)
    out = _tc_layer2(agg2, agg2, cntc, cntc, h, W2l.T, W2r.T,
                     b2.reshape(1, D))
    return out[:N]

# --- scband reference (transcript-rebuilt; emitter-appended) ---
"""Pipeline reference for scband-graph-sage-5428838662375 (READ-ONLY COPY).

The authoritative reference and input builder live on the scoring server;
editing this copy changes nothing except your own understanding.
"""

import jax, jax.numpy as jnp
import numpy as np

N_NODES = 10000
N_EDGES = 320000
D_IN = 128
D_HID = 128
D_OUT = 128


def setup_inputs(seed: int = 0) -> dict:
    key = jax.random.key(seed)
    ks = jax.random.split(key, 9)
    x = jax.random.normal(ks[0], (N_NODES, D_IN), dtype=jnp.float32)
    edge_index = jax.random.randint(ks[1], (2, N_EDGES), 0, N_NODES, dtype=jnp.int64)
    # SAGEConv layer 1 params: lin_l (applied to aggregated neighbors, has bias), lin_r (applied to root)
    s1 = 1.0 / np.sqrt(D_IN)
    W1l = jax.random.uniform(ks[2], (D_HID, D_IN), jnp.float32, -s1, s1)
    b1 = jax.random.uniform(ks[3], (D_HID,), jnp.float32, -s1, s1)
    W1r = jax.random.uniform(ks[4], (D_HID, D_IN), jnp.float32, -s1, s1)
    s2 = 1.0 / np.sqrt(D_HID)
    W2l = jax.random.uniform(ks[5], (D_OUT, D_HID), jnp.float32, -s2, s2)
    b2 = jax.random.uniform(ks[6], (D_OUT,), jnp.float32, -s2, s2)
    W2r = jax.random.uniform(ks[7], (D_OUT, D_HID), jnp.float32, -s2, s2)
    return {"x": x, "edge_index": edge_index, "W1l": W1l, "b1": b1, "W1r": W1r,
            "W2l": W2l, "b2": b2, "W2r": W2r}


def _sage_conv(x, src, dst, Wl, bl, Wr):
    # message = x[src]; mean-aggregate at dst; out = lin_l(aggr) + lin_r(x)
    msg = jnp.take(x, src, axis=0)
    agg = jax.ops.segment_sum(msg, dst, num_segments=N_NODES)
    cnt = jax.ops.segment_sum(jnp.ones((msg.shape[0],), dtype=x.dtype), dst, num_segments=N_NODES)
    mean = agg / jnp.maximum(cnt, 1.0)[:, None]
    return mean @ Wl.T + bl + x @ Wr.T


def reference(x, edge_index, W1l, b1, W1r, W2l, b2, W2r):
    src = edge_index[0]
    dst = edge_index[1]
    h = _sage_conv(x, src, dst, W1l, b1, W1r)
    h = jax.nn.relu(h)
    out = _sage_conv(h, src, dst, W2l, b2, W2r)
    return out

if __name__ == "__main__":
    import jax
    _d = setup_inputs()
    print(jax.jit(kernel)(*tuple(_d.values())))

</pallas_src>

<mosaic_0001>
#map = affine_map<(d0, d1) -> (0, 0)>
#map1 = affine_map<(d0, d1) -> (0, 0, 0)>
#map2 = affine_map<(d0, d1) -> (0)>
module attributes {stable_mosaic.version = 14 : i64} {
  func.func @body(%arg0: i32, %arg1: i32, %arg2: memref<10240x128xf32, #tpu.memory_space<hbm>>, %arg3: memref<32x80x128xi32, #tpu.memory_space<hbm>>, %arg4: memref<32x80x128xi32, #tpu.memory_space<hbm>>, %arg5: memref<640x128xf32, #tpu.memory_space<hbm>>, %arg6: memref<640xf32, #tpu.memory_space<hbm>>, %arg7: memref<128xf32, #tpu.memory_space<hbm>>, %arg8: memref<2x10240x128xf32, #tpu.memory_space<hbm>>, %arg9: memref<2x10240xf32, #tpu.memory_space<hbm>>, %arg10: memref<40x128xi32, #tpu.memory_space<vmem>>, %arg11: memref<40x128xi32, #tpu.memory_space<vmem>>, %arg12: memref<2x128x128xf32, #tpu.memory_space<vmem>>, %arg13: memref<10240x128xf32, #tpu.memory_space<vmem_shared>>, %arg14: memref<!tpu.dma_semaphore, #tpu.memory_space<semaphore_mem>>, %arg15: memref<!tpu.dma_semaphore, #tpu.memory_space<semaphore_mem>>, %arg16: memref<128xf32, #tpu.memory_space<vmem>>, %arg17: memref<10240xf32, #tpu.memory_space<vmem_shared>>, %arg18: memref<!tpu.dma_semaphore, #tpu.memory_space<semaphore_mem>>) attributes {dimension_semantics = [#tpu.dimension_semantics<core_parallel>, #tpu.dimension_semantics<subcore_parallel>], iteration_bounds = array<i64: 2, 16>, scalar_prefetch = 0 : i64, scratch_operands = 9 : i64, tpu.core_type = #tpu.core_type<sc_vector_subcore>, window_params = [{transform_indices = #map}, {transform_indices = #map1}, {transform_indices = #map1}, {transform_indices = #map}, {transform_indices = #map2}, {transform_indices = #map2}, {transform_indices = #map1}, {transform_indices = #map}]} {
    %mul3A = arith.constant 16 : i32
    %mul3A_0 = arith.muli %arg0, %mul3A : i32
    %add3A = arith.addi %mul3A_0, %arg1 : i32
    %mul3A_1 = arith.constant 640 : i32
    %mul3A_2 = arith.muli %arg1, %mul3A_1 : i32
    "tpu.region"() ({
      %run_scoped3A = tpu.sem_alloc : memref<!tpu.dma_semaphore, #tpu.memory_space<semaphore_mem>>
      %dma_start3A_75 = arith.constant 0 : i32
      %dma_start3A_76 = tpu.memref_slice %arg13[%mul3A_2, %dma_start3A_75] : memref<10240x128xf32, #tpu.memory_space<vmem_shared>> -> memref<640x128xf32, #tpu.memory_space<vmem_shared>>
      tpu.enqueue_dma source(%arg5 : memref<640x128xf32, #tpu.memory_space<hbm>>) target(%dma_start3A_76 : memref<640x128xf32, #tpu.memory_space<vmem_shared>>) target_semaphore(%run_scoped3A : memref<!tpu.dma_semaphore, #tpu.memory_space<semaphore_mem>>)
      %dma_wait3A_77 = arith.constant 0 : i32
      %dma_wait3A_78 = tpu.memref_slice %arg13[%mul3A_2, %dma_wait3A_77] : memref<10240x128xf32, #tpu.memory_space<vmem_shared>> -> memref<640x128xf32, #tpu.memory_space<vmem_shared>>
      tpu.wait_dma2 semaphore(%run_scoped3A : memref<!tpu.dma_semaphore, #tpu.memory_space<semaphore_mem>>) src(%arg5 : memref<640x128xf32, #tpu.memory_space<hbm>>) dst(%dma_wait3A_78 : memref<640x128xf32, #tpu.memory_space<vmem_shared>>)
      tpu.yield
    }) : () -> ()
    %mul3A_3 = arith.constant 640 : i32
    %mul3A_4 = arith.muli %arg1, %mul3A_3 : i32
    "tpu.region"() ({
      %run_scoped3A = tpu.sem_alloc : memref<!tpu.dma_semaphore, #tpu.memory_space<semaphore_mem>>
      %dma_start3A_75 = tpu.memref_slice %arg17[%mul3A_4] : memref<10240xf32, #tpu.memory_space<vmem_shared>> -> memref<640xf32, #tpu.memory_space<vmem_shared>>
      tpu.enqueue_dma source(%arg6 : memref<640xf32, #tpu.memory_space<hbm>>) target(%dma_start3A_75 : memref<640xf32, #tpu.memory_space<vmem_shared>>) target_semaphore(%run_scoped3A : memref<!tpu.dma_semaphore, #tpu.memory_space<semaphore_mem>>)
      %dma_wait3A_76 = tpu.memref_slice %arg17[%mul3A_4] : memref<10240xf32, #tpu.memory_space<vmem_shared>> -> memref<640xf32, #tpu.memory_space<vmem_shared>>
      tpu.wait_dma2 semaphore(%run_scoped3A : memref<!tpu.dma_semaphore, #tpu.memory_space<semaphore_mem>>) src(%arg6 : memref<640xf32, #tpu.memory_space<hbm>>) dst(%dma_wait3A_76 : memref<640xf32, #tpu.memory_space<vmem_shared>>)
      tpu.yield
    }) : () -> ()
    "tpu.region"() ({
      %run_scoped3A = tpu.sem_alloc : memref<!tpu.dma_semaphore, #tpu.memory_space<semaphore_mem>>
      tpu.enqueue_dma source(%arg7 : memref<128xf32, #tpu.memory_space<hbm>>) target(%arg16 : memref<128xf32, #tpu.memory_space<vmem>>) target_semaphore(%run_scoped3A : memref<!tpu.dma_semaphore, #tpu.memory_space<semaphore_mem>>)
      tpu.wait_dma2 semaphore(%run_scoped3A : memref<!tpu.dma_semaphore, #tpu.memory_space<semaphore_mem>>) src(%arg7 : memref<128xf32, #tpu.memory_space<hbm>>) dst(%arg16 : memref<128xf32, #tpu.memory_space<vmem>>)
      tpu.yield
    }) : () -> ()
    %barrier3A = arith.constant 0 : index
    tpu.barrier barrier_id(%barrier3A)
    "tpu.region"() ({
      %run_scoped3A = tpu.sem_alloc : memref<!tpu.dma_semaphore, #tpu.memory_space<semaphore_mem>>
      %dma_start3A_75 = arith.constant 0 : i32
      %dma_start3A_76 = arith.constant 0 : i32
      %dma_start3A_77 = tpu.memref_slice %arg3[%add3A, %dma_start3A_75, %dma_start3A_76] : memref<32x80x128xi32, #tpu.memory_space<hbm>> -> memref<1x40x128xi32, #tpu.memory_space<hbm>>
      %dma_start3A_78 = tpu.memref_squeeze %dma_start3A_77 : memref<1x40x128xi32, #tpu.memory_space<hbm>> -> memref<40x128xi32, #tpu.memory_space<hbm>>
      %dma_start3A_79 = arith.constant 0 : i32
      %dma_start3A_80 = arith.constant 0 : i32
      %dma_start3A_81 = tpu.memref_slice %arg3[%add3A, %dma_start3A_79, %dma_start3A_80] : memref<32x80x128xi32, #tpu.memory_space<hbm>> -> memref<1x40x128xi32, #tpu.memory_space<hbm>>
      %dma_start3A_82 = tpu.memref_squeeze %dma_start3A_81 : memref<1x40x128xi32, #tpu.memory_space<hbm>> -> memref<40x128xi32, #tpu.memory_space<hbm>>
      tpu.enqueue_dma source(%dma_start3A_82 : memref<40x128xi32, #tpu.memory_space<hbm>>) target(%arg10 : memref<40x128xi32, #tpu.memory_space<vmem>>) target_semaphore(%run_scoped3A : memref<!tpu.dma_semaphore, #tpu.memory_space<semaphore_mem>>)
      %dma_wait3A_83 = arith.constant 0 : i32
      %dma_wait3A_84 = arith.constant 0 : i32
      %dma_wait3A_85 = tpu.memref_slice %arg3[%add3A, %dma_wait3A_83, %dma_wait3A_84] : memref<32x80x128xi32, #tpu.memory_space<hbm>> -> memref<1x40x128xi32, #tpu.memory_space<hbm>>
      %dma_wait3A_86 = tpu.memref_squeeze %dma_wait3A_85 : memref<1x40x128xi32, #tpu.memory_space<hbm>> -> memref<40x128xi32, #tpu.memory_space<hbm>>
      %dma_wait3A_87 = arith.constant 0 : i32
      %dma_wait3A_88 = arith.constant 0 : i32
      %dma_wait3A_89 = tpu.memref_slice %arg3[%add3A, %dma_wait3A_87, %dma_wait3A_88] : memref<32x80x128xi32, #tpu.memory_space<hbm>> -> memref<1x40x128xi32, #tpu.memory_space<hbm>>
      %dma_wait3A_90 = tpu.memref_squeeze %dma_wait3A_89 : memref<1x40x128xi32, #tpu.memory_space<hbm>> -> memref<40x128xi32, #tpu.memory_space<hbm>>
      tpu.wait_dma2 semaphore(%run_scoped3A : memref<!tpu.dma_semaphore, #tpu.memory_space<semaphore_mem>>) src(%dma_wait3A_90 : memref<40x128xi32, #tpu.memory_space<hbm>>) dst(%arg10 : memref<40x128xi32, #tpu.memory_space<vmem>>)
      tpu.yield
    }) : () -> ()
    "tpu.region"() ({
      %run_scoped3A = tpu.sem_alloc : memref<!tpu.dma_semaphore, #tpu.memory_space<semaphore_mem>>
      %dma_start3A_75 = arith.constant 0 : i32
      %dma_start3A_76 = arith.constant 0 : i32
      %dma_start3A_77 = tpu.memref_slice %arg4[%add3A, %dma_start3A_75, %dma_start3A_76] : memref<32x80x128xi32, #tpu.memory_space<hbm>> -> memref<1x40x128xi32, #tpu.memory_space<hbm>>
      %dma_start3A_78 = tpu.memref_squeeze %dma_start3A_77 : memref<1x40x128xi32, #tpu.memory_space<hbm>> -> memref<40x128xi32, #tpu.memory_space<hbm>>
      %dma_start3A_79 = arith.constant 0 : i32
      %dma_start3A_80 = arith.constant 0 : i32
      %dma_start3A_81 = tpu.memref_slice %arg4[%add3A, %dma_start3A_79, %dma_start3A_80] : memref<32x80x128xi32, #tpu.memory_space<hbm>> -> memref<1x40x128xi32, #tpu.memory_space<hbm>>
      %dma_start3A_82 = tpu.memref_squeeze %dma_start3A_81 : memref<1x40x128xi32, #tpu.memory_space<hbm>> -> memref<40x128xi32, #tpu.memory_space<hbm>>
      tpu.enqueue_dma source(%dma_start3A_82 : memref<40x128xi32, #tpu.memory_space<hbm>>) target(%arg11 : memref<40x128xi32, #tpu.memory_space<vmem>>) target_semaphore(%run_scoped3A : memref<!tpu.dma_semaphore, #tpu.memory_space<semaphore_mem>>)
      %dma_wait3A_83 = arith.constant 0 : i32
      %dma_wait3A_84 = arith.constant 0 : i32
      %dma_wait3A_85 = tpu.memref_slice %arg4[%add3A, %dma_wait3A_83, %dma_wait3A_84] : memref<32x80x128xi32, #tpu.memory_space<hbm>> -> memref<1x40x128xi32, #tpu.memory_space<hbm>>
      %dma_wait3A_86 = tpu.memref_squeeze %dma_wait3A_85 : memref<1x40x128xi32, #tpu.memory_space<hbm>> -> memref<40x128xi32, #tpu.memory_space<hbm>>
      %dma_wait3A_87 = arith.constant 0 : i32
      %dma_wait3A_88 = arith.constant 0 : i32
      %dma_wait3A_89 = tpu.memref_slice %arg4[%add3A, %dma_wait3A_87, %dma_wait3A_88] : memref<32x80x128xi32, #tpu.memory_space<hbm>> -> memref<1x40x128xi32, #tpu.memory_space<hbm>>
      %dma_wait3A_90 = tpu.memref_squeeze %dma_wait3A_89 : memref<1x40x128xi32, #tpu.memory_space<hbm>> -> memref<40x128xi32, #tpu.memory_space<hbm>>
      tpu.wait_dma2 semaphore(%run_scoped3A : memref<!tpu.dma_semaphore, #tpu.memory_space<semaphore_mem>>) src(%dma_wait3A_90 : memref<40x128xi32, #tpu.memory_space<hbm>>) dst(%arg11 : memref<40x128xi32, #tpu.memory_space<vmem>>)
      tpu.yield
    }) : () -> ()
    %dma_start3A = arith.constant 0 : i32
    %dma_start3A_5 = arith.constant 0 : i32
    %dma_start3A_6 = arith.constant 0 : i32
    %dma_start3A_7 = arith.constant 0 : i32
    %dma_start3A_8 = tpu.memref_slice %arg12[%dma_start3A_5, %dma_start3A_6, %dma_start3A_7] : memref<2x128x128xf32, #tpu.memory_space<vmem>> -> memref<1x128x128xf32, #tpu.memory_space<vmem>>
    %dma_start3A_9 = tpu.memref_squeeze %dma_start3A_8 : memref<1x128x128xf32, #tpu.memory_space<vmem>> -> memref<128x128xf32, #tpu.memory_space<vmem>>
    %dma_start3A_10 = arith.constant 0 : i32
    %dma_start3A_11 = tpu.memref_slice %arg10[%dma_start3A, %dma_start3A_10] : memref<40x128xi32, #tpu.memory_space<vmem>> -> memref<1x128xi32, #tpu.memory_space<vmem>>
    %dma_start3A_12 = tpu.memref_squeeze %dma_start3A_11 : memref<1x128xi32, #tpu.memory_space<vmem>> -> memref<128xi32, #tpu.memory_space<vmem>>
    %dma_start3A_13 = arith.constant 0 : i32
    %dma_start3A_14 = arith.constant 0 : i32
    %dma_start3A_15 = tpu.memref_slice %arg2[%dma_start3A_13, %dma_start3A_14] : memref<10240x128xf32, #tpu.memory_space<hbm>> -> memref<10240x128xf32, #tpu.memory_space<hbm>>
    tpu.enqueue_indirect_dma source(%dma_start3A_15 : memref<10240x128xf32, #tpu.memory_space<hbm>>) target(%dma_start3A_9 : memref<128x128xf32, #tpu.memory_space<vmem>>) offsets(%dma_start3A_12 : memref<128xi32, #tpu.memory_space<vmem>>) semaphore(%arg14 : memref<!tpu.dma_semaphore, #tpu.memory_space<semaphore_mem>>)
    %scan3A = arith.constant 0 : i32
    %scan3A_16 = arith.constant 0 : i32
    %scan3A_17 = arith.constant 40 : i32
    %scan3A_18 = arith.addi %scan3A_16, %scan3A_17 : i32
    %scan3A_19 = arith.constant 1 : i32
    scf.for %scan3A_75 = %scan3A_16 to %scan3A_18 step %scan3A_19  : i32 {
      %rem3A = arith.constant 2 : i32
      %rem3A_76 = arith.remsi %scan3A_75, %rem3A : i32
      %add3A_77 = arith.constant 1 : i32
      %add3A_78 = arith.addi %scan3A_75, %add3A_77 : i32
      %rem3A_79 = arith.constant 2 : i32
      %rem3A_80 = arith.remsi %add3A_78, %rem3A_79 : i32
      %dma_wait3A_81 = arith.constant 0 : i32
      %dma_wait3A_82 = arith.constant 0 : i32
      %dma_wait3A_83 = tpu.memref_slice %arg12[%rem3A_76, %dma_wait3A_81, %dma_wait3A_82] : memref<2x128x128xf32, #tpu.memory_space<vmem>> -> memref<1x128x128xf32, #tpu.memory_space<vmem>>
      %dma_wait3A_84 = tpu.memref_squeeze %dma_wait3A_83 : memref<1x128x128xf32, #tpu.memory_space<vmem>> -> memref<128x128xf32, #tpu.memory_space<vmem>>
      %dma_wait3A_85 = arith.constant 0 : i32
      %dma_wait3A_86 = tpu.memref_slice %arg10[%scan3A_75, %dma_wait3A_85] : memref<40x128xi32, #tpu.memory_space<vmem>> -> memref<1x128xi32, #tpu.memory_space<vmem>>
      %dma_wait3A_87 = tpu.memref_squeeze %dma_wait3A_86 : memref<1x128xi32, #tpu.memory_space<vmem>> -> memref<128xi32, #tpu.memory_space<vmem>>
      %dma_wait3A_88 = arith.constant 0 : i32
      %dma_wait3A_89 = arith.constant 0 : i32
      %dma_wait3A_90 = tpu.memref_slice %arg2[%dma_wait3A_88, %dma_wait3A_89] : memref<10240x128xf32, #tpu.memory_space<hbm>> -> memref<10240x128xf32, #tpu.memory_space<hbm>>
      tpu.wait_indirect_dma semaphore(%arg14 : memref<!tpu.dma_semaphore, #tpu.memory_space<semaphore_mem>>) src(%dma_wait3A_90 : memref<10240x128xf32, #tpu.memory_space<hbm>>) dst(%dma_wait3A_84 : memref<128x128xf32, #tpu.memory_space<vmem>>)
      %dma_start3A_91 = arith.constant 0 : i32
      %dma_start3A_92 = arith.constant 0 : i32
      %dma_start3A_93 = tpu.memref_slice %arg12[%rem3A_76, %dma_start3A_91, %dma_start3A_92] : memref<2x128x128xf32, #tpu.memory_space<vmem>> -> memref<1x128x128xf32, #tpu.memory_space<vmem>>
      %dma_start3A_94 = tpu.memref_squeeze %dma_start3A_93 : memref<1x128x128xf32, #tpu.memory_space<vmem>> -> memref<128x128xf32, #tpu.memory_space<vmem>>
      %dma_start3A_95 = arith.constant 0 : i32
      %dma_start3A_96 = tpu.memref_slice %arg11[%scan3A_75, %dma_start3A_95] : memref<40x128xi32, #tpu.memory_space<vmem>> -> memref<1x128xi32, #tpu.memory_space<vmem>>
      %dma_start3A_97 = tpu.memref_squeeze %dma_start3A_96 : memref<1x128xi32, #tpu.memory_space<vmem>> -> memref<128xi32, #tpu.memory_space<vmem>>
      %dma_start3A_98 = arith.constant 0 : i32
      %dma_start3A_99 = arith.constant 0 : i32
      %dma_start3A_100 = tpu.memref_slice %arg13[%dma_start3A_98, %dma_start3A_99] : memref<10240x128xf32, #tpu.memory_space<vmem_shared>> -> memref<10240x128xf32, #tpu.memory_space<vmem_shared>>
      tpu.enqueue_indirect_dma source(%dma_start3A_94 : memref<128x128xf32, #tpu.memory_space<vmem>>) target(%dma_start3A_100 : memref<10240x128xf32, #tpu.memory_space<vmem_shared>>) offsets(%dma_start3A_97 : memref<128xi32, #tpu.memory_space<vmem>>) semaphore(%arg15 : memref<!tpu.dma_semaphore, #tpu.memory_space<semaphore_mem>>) {add = true}
      %add3A_101 = arith.constant 1 : i32
      %add3A_102 = arith.addi %scan3A_75, %add3A_101 : i32
      %lt3A = arith.constant 40 : i32
      %lt3A_103 = arith.cmpi slt, %add3A_102, %lt3A : i32
      %convert_element_type3A = arith.extui %lt3A_103 : i1 to i32
      %cond3A = arith.constant 0 : i32
      %cond3A_104 = arith.cmpi ne, %convert_element_type3A, %cond3A : i32
      scf.if %cond3A_104 {
        %add3A_110 = arith.constant 1 : i32
        %add3A_111 = arith.addi %scan3A_75, %add3A_110 : i32
        %dma_start3A_112 = arith.constant 0 : i32
        %dma_start3A_113 = arith.constant 0 : i32
        %dma_start3A_114 = tpu.memref_slice %arg12[%rem3A_80, %dma_start3A_112, %dma_start3A_113] : memref<2x128x128xf32, #tpu.memory_space<vmem>> -> memref<1x128x128xf32, #tpu.memory_space<vmem>>
        %dma_start3A_115 = tpu.memref_squeeze %dma_start3A_114 : memref<1x128x128xf32, #tpu.memory_space<vmem>> -> memref<128x128xf32, #tpu.memory_space<vmem>>
        %dma_start3A_116 = arith.constant 0 : i32
        %dma_start3A_117 = tpu.memref_slice %arg10[%add3A_111, %dma_start3A_116] : memref<40x128xi32, #tpu.memory_space<vmem>> -> memref<1x128xi32, #tpu.memory_space<vmem>>
        %dma_start3A_118 = tpu.memref_squeeze %dma_start3A_117 : memref<1x128xi32, #tpu.memory_space<vmem>> -> memref<128xi32, #tpu.memory_space<vmem>>
        %dma_start3A_119 = arith.constant 0 : i32
        %dma_start3A_120 = arith.constant 0 : i32
        %dma_start3A_121 = tpu.memref_slice %arg2[%dma_start3A_119, %dma_start3A_120] : memref<10240x128xf32, #tpu.memory_space<hbm>> -> memref<10240x128xf32, #tpu.memory_space<hbm>>
        tpu.enqueue_indirect_dma source(%dma_start3A_121 : memref<10240x128xf32, #tpu.memory_space<hbm>>) target(%dma_start3A_115 : memref<128x128xf32, #tpu.memory_space<vmem>>) offsets(%dma_start3A_118 : memref<128xi32, #tpu.memory_space<vmem>>) semaphore(%arg14 : memref<!tpu.dma_semaphore, #tpu.memory_space<semaphore_mem>>)
      } else {
      }
      %dma_start3A_105 = arith.constant 0 : i32
      %dma_start3A_106 = tpu.memref_slice %arg11[%scan3A_75, %dma_start3A_105] : memref<40x128xi32, #tpu.memory_space<vmem>> -> memref<1x128xi32, #tpu.memory_space<vmem>>
      %dma_start3A_107 = tpu.memref_squeeze %dma_start3A_106 : memref<1x128xi32, #tpu.memory_space<vmem>> -> memref<128xi32, #tpu.memory_space<vmem>>
      %dma_start3A_108 = arith.constant 0 : i32
      %dma_start3A_109 = tpu.memref_slice %arg17[%dma_start3A_108] : memref<10240xf32, #tpu.memory_space<vmem_shared>> -> memref<10240xf32, #tpu.memory_space<vmem_shared>>
      tpu.enqueue_indirect_dma source(%arg16 : memref<128xf32, #tpu.memory_space<vmem>>) target(%dma_start3A_109 : memref<10240xf32, #tpu.memory_space<vmem_shared>>) offsets(%dma_start3A_107 : memref<128xi32, #tpu.memory_space<vmem>>) semaphore(%arg18 : memref<!tpu.dma_semaphore, #tpu.memory_space<semaphore_mem>>) {add = true}
    }
    %scan3A_20 = arith.constant 40 : i32
    %dma_wait3A = arith.constant 0 : i32
    %dma_wait3A_21 = arith.constant 0 : i32
    %dma_wait3A_22 = tpu.memref_slice %arg13[%dma_wait3A, %dma_wait3A_21] : memref<10240x128xf32, #tpu.memory_space<vmem_shared>> -> memref<5120x128xf32, #tpu.memory_space<vmem_shared>>
    %dma_wait3A_23 = arith.constant 0 : i32
    %dma_wait3A_24 = arith.constant 0 : i32
    %dma_wait3A_25 = tpu.memref_slice %arg2[%dma_wait3A_23, %dma_wait3A_24] : memref<10240x128xf32, #tpu.memory_space<hbm>> -> memref<5120x128xf32, #tpu.memory_space<hbm>>
    tpu.wait_dma2 semaphore(%arg15 : memref<!tpu.dma_semaphore, #tpu.memory_space<semaphore_mem>>) src(%dma_wait3A_25 : memref<5120x128xf32, #tpu.memory_space<hbm>>) dst(%dma_wait3A_22 : memref<5120x128xf32, #tpu.memory_space<vmem_shared>>)
    %dma_wait3A_26 = arith.constant 0 : i32
    %dma_wait3A_27 = arith.constant 0 : i32
    %dma_wait3A_28 = tpu.memref_slice %arg4[%add3A, %dma_wait3A_26, %dma_wait3A_27] : memref<32x80x128xi32, #tpu.memory_space<hbm>> -> memref<1x40x128xi32, #tpu.memory_space<hbm>>
    %dma_wait3A_29 = tpu.memref_squeeze %dma_wait3A_28 : memref<1x40x128xi32, #tpu.memory_space<hbm>> -> memref<40x128xi32, #tpu.memory_space<hbm>>
    %dma_wait3A_30 = arith.constant 0 : i32
    %dma_wait3A_31 = arith.constant 0 : i32
    %dma_wait3A_32 = tpu.memref_slice %arg4[%add3A, %dma_wait3A_30, %dma_wait3A_31] : memref<32x80x128xi32, #tpu.memory_space<hbm>> -> memref<1x40x128xi32, #tpu.memory_space<hbm>>
    %dma_wait3A_33 = tpu.memref_squeeze %dma_wait3A_32 : memref<1x40x128xi32, #tpu.memory_space<hbm>> -> memref<40x128xi32, #tpu.memory_space<hbm>>
    tpu.wait_dma2 semaphore(%arg18 : memref<!tpu.dma_semaphore, #tpu.memory_space<semaphore_mem>>) src(%dma_wait3A_33 : memref<40x128xi32, #tpu.memory_space<hbm>>) dst(%arg10 : memref<40x128xi32, #tpu.memory_space<vmem>>)
    "tpu.region"() ({
      %run_scoped3A = tpu.sem_alloc : memref<!tpu.dma_semaphore, #tpu.memory_space<semaphore_mem>>
      %dma_start3A_75 = arith.constant 40 : i32
      %dma_start3A_76 = arith.constant 0 : i32
      %dma_start3A_77 = tpu.memref_slice %arg3[%add3A, %dma_start3A_75, %dma_start3A_76] : memref<32x80x128xi32, #tpu.memory_space<hbm>> -> memref<1x40x128xi32, #tpu.memory_space<hbm>>
      %dma_start3A_78 = tpu.memref_squeeze %dma_start3A_77 : memref<1x40x128xi32, #tpu.memory_space<hbm>> -> memref<40x128xi32, #tpu.memory_space<hbm>>
      %dma_start3A_79 = arith.constant 40 : i32
      %dma_start3A_80 = arith.constant 0 : i32
      %dma_start3A_81 = tpu.memref_slice %arg3[%add3A, %dma_start3A_79, %dma_start3A_80] : memref<32x80x128xi32, #tpu.memory_space<hbm>> -> memref<1x40x128xi32, #tpu.memory_space<hbm>>
      %dma_start3A_82 = tpu.memref_squeeze %dma_start3A_81 : memref<1x40x128xi32, #tpu.memory_space<hbm>> -> memref<40x128xi32, #tpu.memory_space<hbm>>
      tpu.enqueue_dma source(%dma_start3A_82 : memref<40x128xi32, #tpu.memory_space<hbm>>) target(%arg10 : memref<40x128xi32, #tpu.memory_space<vmem>>) target_semaphore(%run_scoped3A : memref<!tpu.dma_semaphore, #tpu.memory_space<semaphore_mem>>)
      %dma_wait3A_83 = arith.constant 40 : i32
      %dma_wait3A_84 = arith.constant 0 : i32
      %dma_wait3A_85 = tpu.memref_slice %arg3[%add3A, %dma_wait3A_83, %dma_wait3A_84] : memref<32x80x128xi32, #tpu.memory_space<hbm>> -> memref<1x40x128xi32, #tpu.memory_space<hbm>>
      %dma_wait3A_86 = tpu.memref_squeeze %dma_wait3A_85 : memref<1x40x128xi32, #tpu.memory_space<hbm>> -> memref<40x128xi32, #tpu.memory_space<hbm>>
      %dma_wait3A_87 = arith.constant 40 : i32
      %dma_wait3A_88 = arith.constant 0 : i32
      %dma_wait3A_89 = tpu.memref_slice %arg3[%add3A, %dma_wait3A_87, %dma_wait3A_88] : memref<32x80x128xi32, #tpu.memory_space<hbm>> -> memref<1x40x128xi32, #tpu.memory_space<hbm>>
      %dma_wait3A_90 = tpu.memref_squeeze %dma_wait3A_89 : memref<1x40x128xi32, #tpu.memory_space<hbm>> -> memref<40x128xi32, #tpu.memory_space<hbm>>
      tpu.wait_dma2 semaphore(%run_scoped3A : memref<!tpu.dma_semaphore, #tpu.memory_space<semaphore_mem>>) src(%dma_wait3A_90 : memref<40x128xi32, #tpu.memory_space<hbm>>) dst(%arg10 : memref<40x128xi32, #tpu.memory_space<vmem>>)
      tpu.yield
    }) : () -> ()
    "tpu.region"() ({
      %run_scoped3A = tpu.sem_alloc : memref<!tpu.dma_semaphore, #tpu.memory_space<semaphore_mem>>
      %dma_start3A_75 = arith.constant 40 : i32
      %dma_start3A_76 = arith.constant 0 : i32
      %dma_start3A_77 = tpu.memref_slice %arg4[%add3A, %dma_start3A_75, %dma_start3A_76] : memref<32x80x128xi32, #tpu.memory_space<hbm>> -> memref<1x40x128xi32, #tpu.memory_space<hbm>>
      %dma_start3A_78 = tpu.memref_squeeze %dma_start3A_77 : memref<1x40x128xi32, #tpu.memory_space<hbm>> -> memref<40x128xi32, #tpu.memory_space<hbm>>
      %dma_start3A_79 = arith.constant 40 : i32
      %dma_start3A_80 = arith.constant 0 : i32
      %dma_start3A_81 = tpu.memref_slice %arg4[%add3A, %dma_start3A_79, %dma_start3A_80] : memref<32x80x128xi32, #tpu.memory_space<hbm>> -> memref<1x40x128xi32, #tpu.memory_space<hbm>>
      %dma_start3A_82 = tpu.memref_squeeze %dma_start3A_81 : memref<1x40x128xi32, #tpu.memory_space<hbm>> -> memref<40x128xi32, #tpu.memory_space<hbm>>
      tpu.enqueue_dma source(%dma_start3A_82 : memref<40x128xi32, #tpu.memory_space<hbm>>) target(%arg11 : memref<40x128xi32, #tpu.memory_space<vmem>>) target_semaphore(%run_scoped3A : memref<!tpu.dma_semaphore, #tpu.memory_space<semaphore_mem>>)
      %dma_wait3A_83 = arith.constant 40 : i32
      %dma_wait3A_84 = arith.constant 0 : i32
      %dma_wait3A_85 = tpu.memref_slice %arg4[%add3A, %dma_wait3A_83, %dma_wait3A_84] : memref<32x80x128xi32, #tpu.memory_space<hbm>> -> memref<1x40x128xi32, #tpu.memory_space<hbm>>
      %dma_wait3A_86 = tpu.memref_squeeze %dma_wait3A_85 : memref<1x40x128xi32, #tpu.memory_space<hbm>> -> memref<40x128xi32, #tpu.memory_space<hbm>>
      %dma_wait3A_87 = arith.constant 40 : i32
      %dma_wait3A_88 = arith.constant 0 : i32
      %dma_wait3A_89 = tpu.memref_slice %arg4[%add3A, %dma_wait3A_87, %dma_wait3A_88] : memref<32x80x128xi32, #tpu.memory_space<hbm>> -> memref<1x40x128xi32, #tpu.memory_space<hbm>>
      %dma_wait3A_90 = tpu.memref_squeeze %dma_wait3A_89 : memref<1x40x128xi32, #tpu.memory_space<hbm>> -> memref<40x128xi32, #tpu.memory_space<hbm>>
      tpu.wait_dma2 semaphore(%run_scoped3A : memref<!tpu.dma_semaphore, #tpu.memory_space<semaphore_mem>>) src(%dma_wait3A_90 : memref<40x128xi32, #tpu.memory_space<hbm>>) dst(%arg11 : memref<40x128xi32, #tpu.memory_space<vmem>>)
      tpu.yield
    }) : () -> ()
    %dma_start3A_34 = arith.constant 0 : i32
    %dma_start3A_35 = arith.constant 0 : i32
    %dma_start3A_36 = arith.constant 0 : i32
    %dma_start3A_37 = arith.constant 0 : i32
    %dma_start3A_38 = tpu.memref_slice %arg12[%dma_start3A_35, %dma_start3A_36, %dma_start3A_37] : memref<2x128x128xf32, #tpu.memory_space<vmem>> -> memref<1x128x128xf32, #tpu.memory_space<vmem>>
    %dma_start3A_39 = tpu.memref_squeeze %dma_start3A_38 : memref<1x128x128xf32, #tpu.memory_space<vmem>> -> memref<128x128xf32, #tpu.memory_space<vmem>>
    %dma_start3A_40 = arith.constant 0 : i32
    %dma_start3A_41 = tpu.memref_slice %arg10[%dma_start3A_34, %dma_start3A_40] : memref<40x128xi32, #tpu.memory_space<vmem>> -> memref<1x128xi32, #tpu.memory_space<vmem>>
    %dma_start3A_42 = tpu.memref_squeeze %dma_start3A_41 : memref<1x128xi32, #tpu.memory_space<vmem>> -> memref<128xi32, #tpu.memory_space<vmem>>
    %dma_start3A_43 = arith.constant 0 : i32
    %dma_start3A_44 = arith.constant 0 : i32
    %dma_start3A_45 = tpu.memref_slice %arg2[%dma_start3A_43, %dma_start3A_44] : memref<10240x128xf32, #tpu.memory_space<hbm>> -> memref<10240x128xf32, #tpu.memory_space<hbm>>
    tpu.enqueue_indirect_dma source(%dma_start3A_45 : memref<10240x128xf32, #tpu.memory_space<hbm>>) target(%dma_start3A_39 : memref<128x128xf32, #tpu.memory_space<vmem>>) offsets(%dma_start3A_42 : memref<128xi32, #tpu.memory_space<vmem>>) semaphore(%arg14 : memref<!tpu.dma_semaphore, #tpu.memory_space<semaphore_mem>>)
    %scan3A_46 = arith.constant 0 : i32
    %scan3A_47 = arith.constant 0 : i32
    %scan3A_48 = arith.constant 40 : i32
    %scan3A_49 = arith.addi %scan3A_47, %scan3A_48 : i32
    %scan3A_50 = arith.constant 1 : i32
    scf.for %scan3A_75 = %scan3A_47 to %scan3A_49 step %scan3A_50  : i32 {
      %rem3A = arith.constant 2 : i32
      %rem3A_76 = arith.remsi %scan3A_75, %rem3A : i32
      %add3A_77 = arith.constant 1 : i32
      %add3A_78 = arith.addi %scan3A_75, %add3A_77 : i32
      %rem3A_79 = arith.constant 2 : i32
      %rem3A_80 = arith.remsi %add3A_78, %rem3A_79 : i32
      %dma_wait3A_81 = arith.constant 0 : i32
      %dma_wait3A_82 = arith.constant 0 : i32
      %dma_wait3A_83 = tpu.memref_slice %arg12[%rem3A_76, %dma_wait3A_81, %dma_wait3A_82] : memref<2x128x128xf32, #tpu.memory_space<vmem>> -> memref<1x128x128xf32, #tpu.memory_space<vmem>>
      %dma_wait3A_84 = tpu.memref_squeeze %dma_wait3A_83 : memref<1x128x128xf32, #tpu.memory_space<vmem>> -> memref<128x128xf32, #tpu.memory_space<vmem>>
      %dma_wait3A_85 = arith.constant 0 : i32
      %dma_wait3A_86 = tpu.memref_slice %arg10[%scan3A_75, %dma_wait3A_85] : memref<40x128xi32, #tpu.memory_space<vmem>> -> memref<1x128xi32, #tpu.memory_space<vmem>>
      %dma_wait3A_87 = tpu.memref_squeeze %dma_wait3A_86 : memref<1x128xi32, #tpu.memory_space<vmem>> -> memref<128xi32, #tpu.memory_space<vmem>>
      %dma_wait3A_88 = arith.constant 0 : i32
      %dma_wait3A_89 = arith.constant 0 : i32
      %dma_wait3A_90 = tpu.memref_slice %arg2[%dma_wait3A_88, %dma_wait3A_89] : memref<10240x128xf32, #tpu.memory_space<hbm>> -> memref<10240x128xf32, #tpu.memory_space<hbm>>
      tpu.wait_indirect_dma semaphore(%arg14 : memref<!tpu.dma_semaphore, #tpu.memory_space<semaphore_mem>>) src(%dma_wait3A_90 : memref<10240x128xf32, #tpu.memory_space<hbm>>) dst(%dma_wait3A_84 : memref<128x128xf32, #tpu.memory_space<vmem>>)
      %dma_start3A_91 = arith.constant 0 : i32
      %dma_start3A_92 = arith.constant 0 : i32
      %dma_start3A_93 = tpu.memref_slice %arg12[%rem3A_76, %dma_start3A_91, %dma_start3A_92] : memref<2x128x128xf32, #tpu.memory_space<vmem>> -> memref<1x128x128xf32, #tpu.memory_space<vmem>>
      %dma_start3A_94 = tpu.memref_squeeze %dma_start3A_93 : memref<1x128x128xf32, #tpu.memory_space<vmem>> -> memref<128x128xf32, #tpu.memory_space<vmem>>
      %dma_start3A_95 = arith.constant 0 : i32
      %dma_start3A_96 = tpu.memref_slice %arg11[%scan3A_75, %dma_start3A_95] : memref<40x128xi32, #tpu.memory_space<vmem>> -> memref<1x128xi32, #tpu.memory_space<vmem>>
      %dma_start3A_97 = tpu.memref_squeeze %dma_start3A_96 : memref<1x128xi32, #tpu.memory_space<vmem>> -> memref<128xi32, #tpu.memory_space<vmem>>
      %dma_start3A_98 = arith.constant 0 : i32
      %dma_start3A_99 = arith.constant 0 : i32
      %dma_start3A_100 = tpu.memref_slice %arg13[%dma_start3A_98, %dma_start3A_99] : memref<10240x128xf32, #tpu.memory_space<vmem_shared>> -> memref<10240x128xf32, #tpu.memory_space<vmem_shared>>
      tpu.enqueue_indirect_dma source(%dma_start3A_94 : memref<128x128xf32, #tpu.memory_space<vmem>>) target(%dma_start3A_100 : memref<10240x128xf32, #tpu.memory_space<vmem_shared>>) offsets(%dma_start3A_97 : memref<128xi32, #tpu.memory_space<vmem>>) semaphore(%arg15 : memref<!tpu.dma_semaphore, #tpu.memory_space<semaphore_mem>>) {add = true}
      %add3A_101 = arith.constant 1 : i32
      %add3A_102 = arith.addi %scan3A_75, %add3A_101 : i32
      %lt3A = arith.constant 40 : i32
      %lt3A_103 = arith.cmpi slt, %add3A_102, %lt3A : i32
      %convert_element_type3A = arith.extui %lt3A_103 : i1 to i32
      %cond3A = arith.constant 0 : i32
      %cond3A_104 = arith.cmpi ne, %convert_element_type3A, %cond3A : i32
      scf.if %cond3A_104 {
        %add3A_110 = arith.constant 1 : i32
        %add3A_111 = arith.addi %scan3A_75, %add3A_110 : i32
        %dma_start3A_112 = arith.constant 0 : i32
        %dma_start3A_113 = arith.constant 0 : i32
        %dma_start3A_114 = tpu.memref_slice %arg12[%rem3A_80, %dma_start3A_112, %dma_start3A_113] : memref<2x128x128xf32, #tpu.memory_space<vmem>> -> memref<1x128x128xf32, #tpu.memory_space<vmem>>
        %dma_start3A_115 = tpu.memref_squeeze %dma_start3A_114 : memref<1x128x128xf32, #tpu.memory_space<vmem>> -> memref<128x128xf32, #tpu.memory_space<vmem>>
        %dma_start3A_116 = arith.constant 0 : i32
        %dma_start3A_117 = tpu.memref_slice %arg10[%add3A_111, %dma_start3A_116] : memref<40x128xi32, #tpu.memory_space<vmem>> -> memref<1x128xi32, #tpu.memory_space<vmem>>
        %dma_start3A_118 = tpu.memref_squeeze %dma_start3A_117 : memref<1x128xi32, #tpu.memory_space<vmem>> -> memref<128xi32, #tpu.memory_space<vmem>>
        %dma_start3A_119 = arith.constant 0 : i32
        %dma_start3A_120 = arith.constant 0 : i32
        %dma_start3A_121 = tpu.memref_slice %arg2[%dma_start3A_119, %dma_start3A_120] : memref<10240x128xf32, #tpu.memory_space<hbm>> -> memref<10240x128xf32, #tpu.memory_space<hbm>>
        tpu.enqueue_indirect_dma source(%dma_start3A_121 : memref<10240x128xf32, #tpu.memory_space<hbm>>) target(%dma_start3A_115 : memref<128x128xf32, #tpu.memory_space<vmem>>) offsets(%dma_start3A_118 : memref<128xi32, #tpu.memory_space<vmem>>) semaphore(%arg14 : memref<!tpu.dma_semaphore, #tpu.memory_space<semaphore_mem>>)
      } else {
      }
      %dma_start3A_105 = arith.constant 0 : i32
      %dma_start3A_106 = tpu.memref_slice %arg11[%scan3A_75, %dma_start3A_105] : memref<40x128xi32, #tpu.memory_space<vmem>> -> memref<1x128xi32, #tpu.memory_space<vmem>>
      %dma_start3A_107 = tpu.memref_squeeze %dma_start3A_106 : memref<1x128xi32, #tpu.memory_space<vmem>> -> memref<128xi32, #tpu.memory_space<vmem>>
      %dma_start3A_108 = arith.constant 0 : i32
      %dma_start3A_109 = tpu.memref_slice %arg17[%dma_start3A_108] : memref<10240xf32, #tpu.memory_space<vmem_shared>> -> memref<10240xf32, #tpu.memory_space<vmem_shared>>
      tpu.enqueue_indirect_dma source(%arg16 : memref<128xf32, #tpu.memory_space<vmem>>) target(%dma_start3A_109 : memref<10240xf32, #tpu.memory_space<vmem_shared>>) offsets(%dma_start3A_107 : memref<128xi32, #tpu.memory_space<vmem>>) semaphore(%arg18 : memref<!tpu.dma_semaphore, #tpu.memory_space<semaphore_mem>>) {add = true}
    }
    %scan3A_51 = arith.constant 40 : i32
    %dma_wait3A_52 = arith.constant 0 : i32
    %dma_wait3A_53 = arith.constant 0 : i32
    %dma_wait3A_54 = tpu.memref_slice %arg13[%dma_wait3A_52, %dma_wait3A_53] : memref<10240x128xf32, #tpu.memory_space<vmem_shared>> -> memref<5120x128xf32, #tpu.memory_space<vmem_shared>>
    %dma_wait3A_55 = arith.constant 0 : i32
    %dma_wait3A_56 = arith.constant 0 : i32
    %dma_wait3A_57 = tpu.memref_slice %arg2[%dma_wait3A_55, %dma_wait3A_56] : memref<10240x128xf32, #tpu.memory_space<hbm>> -> memref<5120x128xf32, #tpu.memory_space<hbm>>
    tpu.wait_dma2 semaphore(%arg15 : memref<!tpu.dma_semaphore, #tpu.memory_space<semaphore_mem>>) src(%dma_wait3A_57 : memref<5120x128xf32, #tpu.memory_space<hbm>>) dst(%dma_wait3A_54 : memref<5120x128xf32, #tpu.memory_space<vmem_shared>>)
    %dma_wait3A_58 = arith.constant 0 : i32
    %dma_wait3A_59 = arith.constant 0 : i32
    %dma_wait3A_60 = tpu.memref_slice %arg4[%add3A, %dma_wait3A_58, %dma_wait3A_59] : memref<32x80x128xi32, #tpu.memory_space<hbm>> -> memref<1x40x128xi32, #tpu.memory_space<hbm>>
    %dma_wait3A_61 = tpu.memref_squeeze %dma_wait3A_60 : memref<1x40x128xi32, #tpu.memory_space<hbm>> -> memref<40x128xi32, #tpu.memory_space<hbm>>
    %dma_wait3A_62 = arith.constant 0 : i32
    %dma_wait3A_63 = arith.constant 0 : i32
    %dma_wait3A_64 = tpu.memref_slice %arg4[%add3A, %dma_wait3A_62, %dma_wait3A_63] : memref<32x80x128xi32, #tpu.memory_space<hbm>> -> memref<1x40x128xi32, #tpu.memory_space<hbm>>
    %dma_wait3A_65 = tpu.memref_squeeze %dma_wait3A_64 : memref<1x40x128xi32, #tpu.memory_space<hbm>> -> memref<40x128xi32, #tpu.memory_space<hbm>>
    tpu.wait_dma2 semaphore(%arg18 : memref<!tpu.dma_semaphore, #tpu.memory_space<semaphore_mem>>) src(%dma_wait3A_65 : memref<40x128xi32, #tpu.memory_space<hbm>>) dst(%arg10 : memref<40x128xi32, #tpu.memory_space<vmem>>)
    %barrier3A_66 = arith.constant 0 : index
    tpu.barrier barrier_id(%barrier3A_66)
    %mul3A_67 = arith.constant 640 : i32
    %mul3A_68 = arith.muli %arg1, %mul3A_67 : i32
    %mul3A_69 = arith.constant 640 : i32
    %mul3A_70 = arith.muli %arg1, %mul3A_69 : i32
    "tpu.region"() ({
      %run_scoped3A = tpu.sem_alloc : memref<!tpu.dma_semaphore, #tpu.memory_space<semaphore_mem>>
      %dma_start3A_75 = arith.constant 0 : i32
      %dma_start3A_76 = tpu.memref_slice %arg8[%arg0, %mul3A_70, %dma_start3A_75] : memref<2x10240x128xf32, #tpu.memory_space<hbm>> -> memref<1x640x128xf32, #tpu.memory_space<hbm>>
      %dma_start3A_77 = tpu.memref_squeeze %dma_start3A_76 : memref<1x640x128xf32, #tpu.memory_space<hbm>> -> memref<640x128xf32, #tpu.memory_space<hbm>>
      %dma_start3A_78 = arith.constant 0 : i32
      %dma_start3A_79 = tpu.memref_slice %arg13[%mul3A_68, %dma_start3A_78] : memref<10240x128xf32, #tpu.memory_space<vmem_shared>> -> memref<640x128xf32, #tpu.memory_space<vmem_shared>>
      tpu.enqueue_dma source(%dma_start3A_79 : memref<640x128xf32, #tpu.memory_space<vmem_shared>>) target(%dma_start3A_77 : memref<640x128xf32, #tpu.memory_space<hbm>>) target_semaphore(%run_scoped3A : memref<!tpu.dma_semaphore, #tpu.memory_space<semaphore_mem>>)
      %dma_wait3A_80 = arith.constant 0 : i32
      %dma_wait3A_81 = tpu.memref_slice %arg8[%arg0, %mul3A_70, %dma_wait3A_80] : memref<2x10240x128xf32, #tpu.memory_space<hbm>> -> memref<1x640x128xf32, #tpu.memory_space<hbm>>
      %dma_wait3A_82 = tpu.memref_squeeze %dma_wait3A_81 : memref<1x640x128xf32, #tpu.memory_space<hbm>> -> memref<640x128xf32, #tpu.memory_space<hbm>>
      %dma_wait3A_83 = arith.constant 0 : i32
      %dma_wait3A_84 = tpu.memref_slice %arg13[%mul3A_68, %dma_wait3A_83] : memref<10240x128xf32, #tpu.memory_space<vmem_shared>> -> memref<640x128xf32, #tpu.memory_space<vmem_shared>>
      tpu.wait_dma2 semaphore(%run_scoped3A : memref<!tpu.dma_semaphore, #tpu.memory_space<semaphore_mem>>) src(%dma_wait3A_84 : memref<640x128xf32, #tpu.memory_space<vmem_shared>>) dst(%dma_wait3A_82 : memref<640x128xf32, #tpu.memory_space<hbm>>)
      tpu.yield
    }) : () -> ()
    %mul3A_71 = arith.constant 640 : i32
    %mul3A_72 = arith.muli %arg1, %mul3A_71 : i32
    %mul3A_73 = arith.constant 640 : i32
    %mul3A_74 = arith.muli %arg1, %mul3A_73 : i32
    "tpu.region"() ({
      %run_scoped3A = tpu.sem_alloc : memref<!tpu.dma_semaphore, #tpu.memory_space<semaphore_mem>>
      %dma_start3A_75 = tpu.memref_slice %arg9[%arg0, %mul3A_74] : memref<2x10240xf32, #tpu.memory_space<hbm>> -> memref<1x640xf32, #tpu.memory_space<hbm>>
      %dma_start3A_76 = tpu.memref_squeeze %dma_start3A_75 : memref<1x640xf32, #tpu.memory_space<hbm>> -> memref<640xf32, #tpu.memory_space<hbm>>
      %dma_start3A_77 = tpu.memref_slice %arg17[%mul3A_72] : memref<10240xf32, #tpu.memory_space<vmem_shared>> -> memref<640xf32, #tpu.memory_space<vmem_shared>>
      tpu.enqueue_dma source(%dma_start3A_77 : memref<640xf32, #tpu.memory_space<vmem_shared>>) target(%dma_start3A_76 : memref<640xf32, #tpu.memory_space<hbm>>) target_semaphore(%run_scoped3A : memref<!tpu.dma_semaphore, #tpu.memory_space<semaphore_mem>>)
      %dma_wait3A_78 = tpu.memref_slice %arg9[%arg0, %mul3A_74] : memref<2x10240xf32, #tpu.memory_space<hbm>> -> memref<1x640xf32, #tpu.memory_space<hbm>>
      %dma_wait3A_79 = tpu.memref_squeeze %dma_wait3A_78 : memref<1x640xf32, #tpu.memory_space<hbm>> -> memref<640xf32, #tpu.memory_space<hbm>>
      %dma_wait3A_80 = tpu.memref_slice %arg17[%mul3A_72] : memref<10240xf32, #tpu.memory_space<vmem_shared>> -> memref<640xf32, #tpu.memory_space<vmem_shared>>
      tpu.wait_dma2 semaphore(%run_scoped3A : memref<!tpu.dma_semaphore, #tpu.memory_space<semaphore_mem>>) src(%dma_wait3A_80 : memref<640xf32, #tpu.memory_space<vmem_shared>>) dst(%dma_wait3A_79 : memref<640xf32, #tpu.memory_space<hbm>>)
      tpu.yield
    }) : () -> ()
    return
  }
}

#map = affine_map<(d0, d1) -> (0, 0)>
#map1 = affine_map<(d0, d1) -> (0, 0, 0)>
#map2 = affine_map<(d0, d1) -> (0)>
module attributes {stable_mosaic.version = 14 : i64} {
  func.func @body(%arg0: i32, %arg1: i32, %arg2: memref<10240x128xf32, #tpu.memory_space<hbm>>, %arg3: memref<32x80x128xi32, #tpu.memory_space<hbm>>, %arg4: memref<32x80x128xi32, #tpu.memory_space<hbm>>, %arg5: memref<640x128xf32, #tpu.memory_space<hbm>>, %arg6: memref<640xf32, #tpu.memory_space<hbm>>, %arg7: memref<128xf32, #tpu.memory_space<hbm>>, %arg8: memref<2x10240x128xf32, #tpu.memory_space<hbm>>, %arg9: memref<40x128xi32, #tpu.memory_space<vmem>>, %arg10: memref<40x128xi32, #tpu.memory_space<vmem>>, %arg11: memref<2x128x128xf32, #tpu.memory_space<vmem>>, %arg12: memref<10240x128xf32, #tpu.memory_space<vmem_shared>>, %arg13: memref<!tpu.dma_semaphore, #tpu.memory_space<semaphore_mem>>, %arg14: memref<!tpu.dma_semaphore, #tpu.memory_space<semaphore_mem>>) attributes {dimension_semantics = [#tpu.dimension_semantics<core_parallel>, #tpu.dimension_semantics<subcore_parallel>], iteration_bounds = array<i64: 2, 16>, scalar_prefetch = 0 : i64, scratch_operands = 6 : i64, tpu.core_type = #tpu.core_type<sc_vector_subcore>, window_params = [{transform_indices = #map}, {transform_indices = #map1}, {transform_indices = #map1}, {transform_indices = #map}, {transform_indices = #map2}, {transform_indices = #map2}, {transform_indices = #map1}]} {
    %mul3A = arith.constant 16 : i32
    %mul3A_0 = arith.muli %arg0, %mul3A : i32
    %add3A = arith.addi %mul3A_0, %arg1 : i32
    %mul3A_1 = arith.constant 640 : i32
    %mul3A_2 = arith.muli %arg1, %mul3A_1 : i32
    "tpu.region"() ({
      %run_scoped3A = tpu.sem_alloc : memref<!tpu.dma_semaphore, #tpu.memory_space<semaphore_mem>>
      %dma_start3A_53 = arith.constant 0 : i32
      %dma_start3A_54 = tpu.memref_slice %arg12[%mul3A_2, %dma_start3A_53] : memref<10240x128xf32, #tpu.memory_space<vmem_shared>> -> memref<640x128xf32, #tpu.memory_space<vmem_shared>>
      tpu.enqueue_dma source(%arg5 : memref<640x128xf32, #tpu.memory_space<hbm>>) target(%dma_start3A_54 : memref<640x128xf32, #tpu.memory_space<vmem_shared>>) target_semaphore(%run_scoped3A : memref<!tpu.dma_semaphore, #tpu.memory_space<semaphore_mem>>)
      %dma_wait3A_55 = arith.constant 0 : i32
      %dma_wait3A_56 = tpu.memref_slice %arg12[%mul3A_2, %dma_wait3A_55] : memref<10240x128xf32, #tpu.memory_space<vmem_shared>> -> memref<640x128xf32, #tpu.memory_space<vmem_shared>>
      tpu.wait_dma2 semaphore(%run_scoped3A : memref<!tpu.dma_semaphore, #tpu.memory_space<semaphore_mem>>) src(%arg5 : memref<640x128xf32, #tpu.memory_space<hbm>>) dst(%dma_wait3A_56 : memref<640x128xf32, #tpu.memory_space<vmem_shared>>)
      tpu.yield
    }) : () -> ()
    %barrier3A = arith.constant 0 : index
    tpu.barrier barrier_id(%barrier3A)
    "tpu.region"() ({
      %run_scoped3A = tpu.sem_alloc : memref<!tpu.dma_semaphore, #tpu.memory_space<semaphore_mem>>
      %dma_start3A_53 = arith.constant 0 : i32
      %dma_start3A_54 = arith.constant 0 : i32
      %dma_start3A_55 = tpu.memref_slice %arg3[%add3A, %dma_start3A_53, %dma_start3A_54] : memref<32x80x128xi32, #tpu.memory_space<hbm>> -> memref<1x40x128xi32, #tpu.memory_space<hbm>>
      %dma_start3A_56 = tpu.memref_squeeze %dma_start3A_55 : memref<1x40x128xi32, #tpu.memory_space<hbm>> -> memref<40x128xi32, #tpu.memory_space<hbm>>
      %dma_start3A_57 = arith.constant 0 : i32
      %dma_start3A_58 = arith.constant 0 : i32
      %dma_start3A_59 = tpu.memref_slice %arg3[%add3A, %dma_start3A_57, %dma_start3A_58] : memref<32x80x128xi32, #tpu.memory_space<hbm>> -> memref<1x40x128xi32, #tpu.memory_space<hbm>>
      %dma_start3A_60 = tpu.memref_squeeze %dma_start3A_59 : memref<1x40x128xi32, #tpu.memory_space<hbm>> -> memref<40x128xi32, #tpu.memory_space<hbm>>
      tpu.enqueue_dma source(%dma_start3A_60 : memref<40x128xi32, #tpu.memory_space<hbm>>) target(%arg9 : memref<40x128xi32, #tpu.memory_space<vmem>>) target_semaphore(%run_scoped3A : memref<!tpu.dma_semaphore, #tpu.memory_space<semaphore_mem>>)
      %dma_wait3A_61 = arith.constant 0 : i32
      %dma_wait3A_62 = arith.constant 0 : i32
      %dma_wait3A_63 = tpu.memref_slice %arg3[%add3A, %dma_wait3A_61, %dma_wait3A_62] : memref<32x80x128xi32, #tpu.memory_space<hbm>> -> memref<1x40x128xi32, #tpu.memory_space<hbm>>
      %dma_wait3A_64 = tpu.memref_squeeze %dma_wait3A_63 : memref<1x40x128xi32, #tpu.memory_space<hbm>> -> memref<40x128xi32, #tpu.memory_space<hbm>>
      %dma_wait3A_65 = arith.constant 0 : i32
      %dma_wait3A_66 = arith.constant 0 : i32
      %dma_wait3A_67 = tpu.memref_slice %arg3[%add3A, %dma_wait3A_65, %dma_wait3A_66] : memref<32x80x128xi32, #tpu.memory_space<hbm>> -> memref<1x40x128xi32, #tpu.memory_space<hbm>>
      %dma_wait3A_68 = tpu.memref_squeeze %dma_wait3A_67 : memref<1x40x128xi32, #tpu.memory_space<hbm>> -> memref<40x128xi32, #tpu.memory_space<hbm>>
      tpu.wait_dma2 semaphore(%run_scoped3A : memref<!tpu.dma_semaphore, #tpu.memory_space<semaphore_mem>>) src(%dma_wait3A_68 : memref<40x128xi32, #tpu.memory_space<hbm>>) dst(%arg9 : memref<40x128xi32, #tpu.memory_space<vmem>>)
      tpu.yield
    }) : () -> ()
    "tpu.region"() ({
      %run_scoped3A = tpu.sem_alloc : memref<!tpu.dma_semaphore, #tpu.memory_space<semaphore_mem>>
      %dma_start3A_53 = arith.constant 0 : i32
      %dma_start3A_54 = arith.constant 0 : i32
      %dma_start3A_55 = tpu.memref_slice %arg4[%add3A, %dma_start3A_53, %dma_start3A_54] : memref<32x80x128xi32, #tpu.memory_space<hbm>> -> memref<1x40x128xi32, #tpu.memory_space<hbm>>
      %dma_start3A_56 = tpu.memref_squeeze %dma_start3A_55 : memref<1x40x128xi32, #tpu.memory_space<hbm>> -> memref<40x128xi32, #tpu.memory_space<hbm>>
      %dma_start3A_57 = arith.constant 0 : i32
      %dma_start3A_58 = arith.constant 0 : i32
      %dma_start3A_59 = tpu.memref_slice %arg4[%add3A, %dma_start3A_57, %dma_start3A_58] : memref<32x80x128xi32, #tpu.memory_space<hbm>> -> memref<1x40x128xi32, #tpu.memory_space<hbm>>
      %dma_start3A_60 = tpu.memref_squeeze %dma_start3A_59 : memref<1x40x128xi32, #tpu.memory_space<hbm>> -> memref<40x128xi32, #tpu.memory_space<hbm>>
      tpu.enqueue_dma source(%dma_start3A_60 : memref<40x128xi32, #tpu.memory_space<hbm>>) target(%arg10 : memref<40x128xi32, #tpu.memory_space<vmem>>) target_semaphore(%run_scoped3A : memref<!tpu.dma_semaphore, #tpu.memory_space<semaphore_mem>>)
      %dma_wait3A_61 = arith.constant 0 : i32
      %dma_wait3A_62 = arith.constant 0 : i32
      %dma_wait3A_63 = tpu.memref_slice %arg4[%add3A, %dma_wait3A_61, %dma_wait3A_62] : memref<32x80x128xi32, #tpu.memory_space<hbm>> -> memref<1x40x128xi32, #tpu.memory_space<hbm>>
      %dma_wait3A_64 = tpu.memref_squeeze %dma_wait3A_63 : memref<1x40x128xi32, #tpu.memory_space<hbm>> -> memref<40x128xi32, #tpu.memory_space<hbm>>
      %dma_wait3A_65 = arith.constant 0 : i32
      %dma_wait3A_66 = arith.constant 0 : i32
      %dma_wait3A_67 = tpu.memref_slice %arg4[%add3A, %dma_wait3A_65, %dma_wait3A_66] : memref<32x80x128xi32, #tpu.memory_space<hbm>> -> memref<1x40x128xi32, #tpu.memory_space<hbm>>
      %dma_wait3A_68 = tpu.memref_squeeze %dma_wait3A_67 : memref<1x40x128xi32, #tpu.memory_space<hbm>> -> memref<40x128xi32, #tpu.memory_space<hbm>>
      tpu.wait_dma2 semaphore(%run_scoped3A : memref<!tpu.dma_semaphore, #tpu.memory_space<semaphore_mem>>) src(%dma_wait3A_68 : memref<40x128xi32, #tpu.memory_space<hbm>>) dst(%arg10 : memref<40x128xi32, #tpu.memory_space<vmem>>)
      tpu.yield
    }) : () -> ()
    %dma_start3A = arith.constant 0 : i32
    %dma_start3A_3 = arith.constant 0 : i32
    %dma_start3A_4 = arith.constant 0 : i32
    %dma_start3A_5 = arith.constant 0 : i32
    %dma_start3A_6 = tpu.memref_slice %arg11[%dma_start3A_3, %dma_start3A_4, %dma_start3A_5] : memref<2x128x128xf32, #tpu.memory_space<vmem>> -> memref<1x128x128xf32, #tpu.memory_space<vmem>>
    %dma_start3A_7 = tpu.memref_squeeze %dma_start3A_6 : memref<1x128x128xf32, #tpu.memory_space<vmem>> -> memref<128x128xf32, #tpu.memory_space<vmem>>
    %dma_start3A_8 = arith.constant 0 : i32
    %dma_start3A_9 = tpu.memref_slice %arg9[%dma_start3A, %dma_start3A_8] : memref<40x128xi32, #tpu.memory_space<vmem>> -> memref<1x128xi32, #tpu.memory_space<vmem>>
    %dma_start3A_10 = tpu.memref_squeeze %dma_start3A_9 : memref<1x128xi32, #tpu.memory_space<vmem>> -> memref<128xi32, #tpu.memory_space<vmem>>
    %dma_start3A_11 = arith.constant 0 : i32
    %dma_start3A_12 = arith.constant 0 : i32
    %dma_start3A_13 = tpu.memref_slice %arg2[%dma_start3A_11, %dma_start3A_12] : memref<10240x128xf32, #tpu.memory_space<hbm>> -> memref<10240x128xf32, #tpu.memory_space<hbm>>
    tpu.enqueue_indirect_dma source(%dma_start3A_13 : memref<10240x128xf32, #tpu.memory_space<hbm>>) target(%dma_start3A_7 : memref<128x128xf32, #tpu.memory_space<vmem>>) offsets(%dma_start3A_10 : memref<128xi32, #tpu.memory_space<vmem>>) semaphore(%arg13 : memref<!tpu.dma_semaphore, #tpu.memory_space<semaphore_mem>>)
    %scan3A = arith.constant 0 : i32
    %scan3A_14 = arith.constant 0 : i32
    %scan3A_15 = arith.constant 40 : i32
    %scan3A_16 = arith.addi %scan3A_14, %scan3A_15 : i32
    %scan3A_17 = arith.constant 1 : i32
    scf.for %scan3A_53 = %scan3A_14 to %scan3A_16 step %scan3A_17  : i32 {
      %rem3A = arith.constant 2 : i32
      %rem3A_54 = arith.remsi %scan3A_53, %rem3A : i32
      %add3A_55 = arith.constant 1 : i32
      %add3A_56 = arith.addi %scan3A_53, %add3A_55 : i32
      %rem3A_57 = arith.constant 2 : i32
      %rem3A_58 = arith.remsi %add3A_56, %rem3A_57 : i32
      %dma_wait3A_59 = arith.constant 0 : i32
      %dma_wait3A_60 = arith.constant 0 : i32
      %dma_wait3A_61 = tpu.memref_slice %arg11[%rem3A_54, %dma_wait3A_59, %dma_wait3A_60] : memref<2x128x128xf32, #tpu.memory_space<vmem>> -> memref<1x128x128xf32, #tpu.memory_space<vmem>>
      %dma_wait3A_62 = tpu.memref_squeeze %dma_wait3A_61 : memref<1x128x128xf32, #tpu.memory_space<vmem>> -> memref<128x128xf32, #tpu.memory_space<vmem>>
      %dma_wait3A_63 = arith.constant 0 : i32
      %dma_wait3A_64 = tpu.memref_slice %arg9[%scan3A_53, %dma_wait3A_63] : memref<40x128xi32, #tpu.memory_space<vmem>> -> memref<1x128xi32, #tpu.memory_space<vmem>>
      %dma_wait3A_65 = tpu.memref_squeeze %dma_wait3A_64 : memref<1x128xi32, #tpu.memory_space<vmem>> -> memref<128xi32, #tpu.memory_space<vmem>>
      %dma_wait3A_66 = arith.constant 0 : i32
      %dma_wait3A_67 = arith.constant 0 : i32
      %dma_wait3A_68 = tpu.memref_slice %arg2[%dma_wait3A_66, %dma_wait3A_67] : memref<10240x128xf32, #tpu.memory_space<hbm>> -> memref<10240x128xf32, #tpu.memory_space<hbm>>
      tpu.wait_indirect_dma semaphore(%arg13 : memref<!tpu.dma_semaphore, #tpu.memory_space<semaphore_mem>>) src(%dma_wait3A_68 : memref<10240x128xf32, #tpu.memory_space<hbm>>) dst(%dma_wait3A_62 : memref<128x128xf32, #tpu.memory_space<vmem>>)
      %dma_start3A_69 = arith.constant 0 : i32
      %dma_start3A_70 = arith.constant 0 : i32
      %dma_start3A_71 = tpu.memref_slice %arg11[%rem3A_54, %dma_start3A_69, %dma_start3A_70] : memref<2x128x128xf32, #tpu.memory_space<vmem>> -> memref<1x128x128xf32, #tpu.memory_space<vmem>>
      %dma_start3A_72 = tpu.memref_squeeze %dma_start3A_71 : memref<1x128x128xf32, #tpu.memory_space<vmem>> -> memref<128x128xf32, #tpu.memory_space<vmem>>
      %dma_start3A_73 = arith.constant 0 : i32
      %dma_start3A_74 = tpu.memref_slice %arg10[%scan3A_53, %dma_start3A_73] : memref<40x128xi32, #tpu.memory_space<vmem>> -> memref<1x128xi32, #tpu.memory_space<vmem>>
      %dma_start3A_75 = tpu.memref_squeeze %dma_start3A_74 : memref<1x128xi32, #tpu.memory_space<vmem>> -> memref<128xi32, #tpu.memory_space<vmem>>
      %dma_start3A_76 = arith.constant 0 : i32
      %dma_start3A_77 = arith.constant 0 : i32
      %dma_start3A_78 = tpu.memref_slice %arg12[%dma_start3A_76, %dma_start3A_77] : memref<10240x128xf32, #tpu.memory_space<vmem_shared>> -> memref<10240x128xf32, #tpu.memory_space<vmem_shared>>
      tpu.enqueue_indirect_dma source(%dma_start3A_72 : memref<128x128xf32, #tpu.memory_space<vmem>>) target(%dma_start3A_78 : memref<10240x128xf32, #tpu.memory_space<vmem_shared>>) offsets(%dma_start3A_75 : memref<128xi32, #tpu.memory_space<vmem>>) semaphore(%arg14 : memref<!tpu.dma_semaphore, #tpu.memory_space<semaphore_mem>>) {add = true}
      %add3A_79 = arith.constant 1 : i32
      %add3A_80 = arith.addi %scan3A_53, %add3A_79 : i32
      %lt3A = arith.constant 40 : i32
      %lt3A_81 = arith.cmpi slt, %add3A_80, %lt3A : i32
      %convert_element_type3A = arith.extui %lt3A_81 : i1 to i32
      %cond3A = arith.constant 0 : i32
      %cond3A_82 = arith.cmpi ne, %convert_element_type3A, %cond3A : i32
      scf.if %cond3A_82 {
        %add3A_83 = arith.constant 1 : i32
        %add3A_84 = arith.addi %scan3A_53, %add3A_83 : i32
        %dma_start3A_85 = arith.constant 0 : i32
        %dma_start3A_86 = arith.constant 0 : i32
        %dma_start3A_87 = tpu.memref_slice %arg11[%rem3A_58, %dma_start3A_85, %dma_start3A_86] : memref<2x128x128xf32, #tpu.memory_space<vmem>> -> memref<1x128x128xf32, #tpu.memory_space<vmem>>
        %dma_start3A_88 = tpu.memref_squeeze %dma_start3A_87 : memref<1x128x128xf32, #tpu.memory_space<vmem>> -> memref<128x128xf32, #tpu.memory_space<vmem>>
        %dma_start3A_89 = arith.constant 0 : i32
        %dma_start3A_90 = tpu.memref_slice %arg9[%add3A_84, %dma_start3A_89] : memref<40x128xi32, #tpu.memory_space<vmem>> -> memref<1x128xi32, #tpu.memory_space<vmem>>
        %dma_start3A_91 = tpu.memref_squeeze %dma_start3A_90 : memref<1x128xi32, #tpu.memory_space<vmem>> -> memref<128xi32, #tpu.memory_space<vmem>>
        %dma_start3A_92 = arith.constant 0 : i32
        %dma_start3A_93 = arith.constant 0 : i32
        %dma_start3A_94 = tpu.memref_slice %arg2[%dma_start3A_92, %dma_start3A_93] : memref<10240x128xf32, #tpu.memory_space<hbm>> -> memref<10240x128xf32, #tpu.memory_space<hbm>>
        tpu.enqueue_indirect_dma source(%dma_start3A_94 : memref<10240x128xf32, #tpu.memory_space<hbm>>) target(%dma_start3A_88 : memref<128x128xf32, #tpu.memory_space<vmem>>) offsets(%dma_start3A_91 : memref<128xi32, #tpu.memory_space<vmem>>) semaphore(%arg13 : memref<!tpu.dma_semaphore, #tpu.memory_space<semaphore_mem>>)
      } else {
      }
    }
    %scan3A_18 = arith.constant 40 : i32
    %dma_wait3A = arith.constant 0 : i32
    %dma_wait3A_19 = arith.constant 0 : i32
    %dma_wait3A_20 = tpu.memref_slice %arg12[%dma_wait3A, %dma_wait3A_19] : memref<10240x128xf32, #tpu.memory_space<vmem_shared>> -> memref<5120x128xf32, #tpu.memory_space<vmem_shared>>
    %dma_wait3A_21 = arith.constant 0 : i32
    %dma_wait3A_22 = arith.constant 0 : i32
    %dma_wait3A_23 = tpu.memref_slice %arg2[%dma_wait3A_21, %dma_wait3A_22] : memref<10240x128xf32, #tpu.memory_space<hbm>> -> memref<5120x128xf32, #tpu.memory_space<hbm>>
    tpu.wait_dma2 semaphore(%arg14 : memref<!tpu.dma_semaphore, #tpu.memory_space<semaphore_mem>>) src(%dma_wait3A_23 : memref<5120x128xf32, #tpu.memory_space<hbm>>) dst(%dma_wait3A_20 : memref<5120x128xf32, #tpu.memory_space<vmem_shared>>)
    "tpu.region"() ({
      %run_scoped3A = tpu.sem_alloc : memref<!tpu.dma_semaphore, #tpu.memory_space<semaphore_mem>>
      %dma_start3A_53 = arith.constant 40 : i32
      %dma_start3A_54 = arith.constant 0 : i32
      %dma_start3A_55 = tpu.memref_slice %arg3[%add3A, %dma_start3A_53, %dma_start3A_54] : memref<32x80x128xi32, #tpu.memory_space<hbm>> -> memref<1x40x128xi32, #tpu.memory_space<hbm>>
      %dma_start3A_56 = tpu.memref_squeeze %dma_start3A_55 : memref<1x40x128xi32, #tpu.memory_space<hbm>> -> memref<40x128xi32, #tpu.memory_space<hbm>>
      %dma_start3A_57 = arith.constant 40 : i32
      %dma_start3A_58 = arith.constant 0 : i32
      %dma_start3A_59 = tpu.memref_slice %arg3[%add3A, %dma_start3A_57, %dma_start3A_58] : memref<32x80x128xi32, #tpu.memory_space<hbm>> -> memref<1x40x128xi32, #tpu.memory_space<hbm>>
      %dma_start3A_60 = tpu.memref_squeeze %dma_start3A_59 : memref<1x40x128xi32, #tpu.memory_space<hbm>> -> memref<40x128xi32, #tpu.memory_space<hbm>>
      tpu.enqueue_dma source(%dma_start3A_60 : memref<40x128xi32, #tpu.memory_space<hbm>>) target(%arg9 : memref<40x128xi32, #tpu.memory_space<vmem>>) target_semaphore(%run_scoped3A : memref<!tpu.dma_semaphore, #tpu.memory_space<semaphore_mem>>)
      %dma_wait3A_61 = arith.constant 40 : i32
      %dma_wait3A_62 = arith.constant 0 : i32
      %dma_wait3A_63 = tpu.memref_slice %arg3[%add3A, %dma_wait3A_61, %dma_wait3A_62] : memref<32x80x128xi32, #tpu.memory_space<hbm>> -> memref<1x40x128xi32, #tpu.memory_space<hbm>>
      %dma_wait3A_64 = tpu.memref_squeeze %dma_wait3A_63 : memref<1x40x128xi32, #tpu.memory_space<hbm>> -> memref<40x128xi32, #tpu.memory_space<hbm>>
      %dma_wait3A_65 = arith.constant 40 : i32
      %dma_wait3A_66 = arith.constant 0 : i32
      %dma_wait3A_67 = tpu.memref_slice %arg3[%add3A, %dma_wait3A_65, %dma_wait3A_66] : memref<32x80x128xi32, #tpu.memory_space<hbm>> -> memref<1x40x128xi32, #tpu.memory_space<hbm>>
      %dma_wait3A_68 = tpu.memref_squeeze %dma_wait3A_67 : memref<1x40x128xi32, #tpu.memory_space<hbm>> -> memref<40x128xi32, #tpu.memory_space<hbm>>
      tpu.wait_dma2 semaphore(%run_scoped3A : memref<!tpu.dma_semaphore, #tpu.memory_space<semaphore_mem>>) src(%dma_wait3A_68 : memref<40x128xi32, #tpu.memory_space<hbm>>) dst(%arg9 : memref<40x128xi32, #tpu.memory_space<vmem>>)
      tpu.yield
    }) : () -> ()
    "tpu.region"() ({
      %run_scoped3A = tpu.sem_alloc : memref<!tpu.dma_semaphore, #tpu.memory_space<semaphore_mem>>
      %dma_start3A_53 = arith.constant 40 : i32
      %dma_start3A_54 = arith.constant 0 : i32
      %dma_start3A_55 = tpu.memref_slice %arg4[%add3A, %dma_start3A_53, %dma_start3A_54] : memref<32x80x128xi32, #tpu.memory_space<hbm>> -> memref<1x40x128xi32, #tpu.memory_space<hbm>>
      %dma_start3A_56 = tpu.memref_squeeze %dma_start3A_55 : memref<1x40x128xi32, #tpu.memory_space<hbm>> -> memref<40x128xi32, #tpu.memory_space<hbm>>
      %dma_start3A_57 = arith.constant 40 : i32
      %dma_start3A_58 = arith.constant 0 : i32
      %dma_start3A_59 = tpu.memref_slice %arg4[%add3A, %dma_start3A_57, %dma_start3A_58] : memref<32x80x128xi32, #tpu.memory_space<hbm>> -> memref<1x40x128xi32, #tpu.memory_space<hbm>>
      %dma_start3A_60 = tpu.memref_squeeze %dma_start3A_59 : memref<1x40x128xi32, #tpu.memory_space<hbm>> -> memref<40x128xi32, #tpu.memory_space<hbm>>
      tpu.enqueue_dma source(%dma_start3A_60 : memref<40x128xi32, #tpu.memory_space<hbm>>) target(%arg10 : memref<40x128xi32, #tpu.memory_space<vmem>>) target_semaphore(%run_scoped3A : memref<!tpu.dma_semaphore, #tpu.memory_space<semaphore_mem>>)
      %dma_wait3A_61 = arith.constant 40 : i32
      %dma_wait3A_62 = arith.constant 0 : i32
      %dma_wait3A_63 = tpu.memref_slice %arg4[%add3A, %dma_wait3A_61, %dma_wait3A_62] : memref<32x80x128xi32, #tpu.memory_space<hbm>> -> memref<1x40x128xi32, #tpu.memory_space<hbm>>
      %dma_wait3A_64 = tpu.memref_squeeze %dma_wait3A_63 : memref<1x40x128xi32, #tpu.memory_space<hbm>> -> memref<40x128xi32, #tpu.memory_space<hbm>>
      %dma_wait3A_65 = arith.constant 40 : i32
      %dma_wait3A_66 = arith.constant 0 : i32
      %dma_wait3A_67 = tpu.memref_slice %arg4[%add3A, %dma_wait3A_65, %dma_wait3A_66] : memref<32x80x128xi32, #tpu.memory_space<hbm>> -> memref<1x40x128xi32, #tpu.memory_space<hbm>>
      %dma_wait3A_68 = tpu.memref_squeeze %dma_wait3A_67 : memref<1x40x128xi32, #tpu.memory_space<hbm>> -> memref<40x128xi32, #tpu.memory_space<hbm>>
      tpu.wait_dma2 semaphore(%run_scoped3A : memref<!tpu.dma_semaphore, #tpu.memory_space<semaphore_mem>>) src(%dma_wait3A_68 : memref<40x128xi32, #tpu.memory_space<hbm>>) dst(%arg10 : memref<40x128xi32, #tpu.memory_space<vmem>>)
      tpu.yield
    }) : () -> ()
    %dma_start3A_24 = arith.constant 0 : i32
    %dma_start3A_25 = arith.constant 0 : i32
    %dma_start3A_26 = arith.constant 0 : i32
    %dma_start3A_27 = arith.constant 0 : i32
    %dma_start3A_28 = tpu.memref_slice %arg11[%dma_start3A_25, %dma_start3A_26, %dma_start3A_27] : memref<2x128x128xf32, #tpu.memory_space<vmem>> -> memref<1x128x128xf32, #tpu.memory_space<vmem>>
    %dma_start3A_29 = tpu.memref_squeeze %dma_start3A_28 : memref<1x128x128xf32, #tpu.memory_space<vmem>> -> memref<128x128xf32, #tpu.memory_space<vmem>>
    %dma_start3A_30 = arith.constant 0 : i32
    %dma_start3A_31 = tpu.memref_slice %arg9[%dma_start3A_24, %dma_start3A_30] : memref<40x128xi32, #tpu.memory_space<vmem>> -> memref<1x128xi32, #tpu.memory_space<vmem>>
    %dma_start3A_32 = tpu.memref_squeeze %dma_start3A_31 : memref<1x128xi32, #tpu.memory_space<vmem>> -> memref<128xi32, #tpu.memory_space<vmem>>
    %dma_start3A_33 = arith.constant 0 : i32
    %dma_start3A_34 = arith.constant 0 : i32
    %dma_start3A_35 = tpu.memref_slice %arg2[%dma_start3A_33, %dma_start3A_34] : memref<10240x128xf32, #tpu.memory_space<hbm>> -> memref<10240x128xf32, #tpu.memory_space<hbm>>
    tpu.enqueue_indirect_dma source(%dma_start3A_35 : memref<10240x128xf32, #tpu.memory_space<hbm>>) target(%dma_start3A_29 : memref<128x128xf32, #tpu.memory_space<vmem>>) offsets(%dma_start3A_32 : memref<128xi32, #tpu.memory_space<vmem>>) semaphore(%arg13 : memref<!tpu.dma_semaphore, #tpu.memory_space<semaphore_mem>>)
    %scan3A_36 = arith.constant 0 : i32
    %scan3A_37 = arith.constant 0 : i32
    %scan3A_38 = arith.constant 40 : i32
    %scan3A_39 = arith.addi %scan3A_37, %scan3A_38 : i32
    %scan3A_40 = arith.constant 1 : i32
    scf.for %scan3A_53 = %scan3A_37 to %scan3A_39 step %scan3A_40  : i32 {
      %rem3A = arith.constant 2 : i32
      %rem3A_54 = arith.remsi %scan3A_53, %rem3A : i32
      %add3A_55 = arith.constant 1 : i32
      %add3A_56 = arith.addi %scan3A_53, %add3A_55 : i32
      %rem3A_57 = arith.constant 2 : i32
      %rem3A_58 = arith.remsi %add3A_56, %rem3A_57 : i32
      %dma_wait3A_59 = arith.constant 0 : i32
      %dma_wait3A_60 = arith.constant 0 : i32
      %dma_wait3A_61 = tpu.memref_slice %arg11[%rem3A_54, %dma_wait3A_59, %dma_wait3A_60] : memref<2x128x128xf32, #tpu.memory_space<vmem>> -> memref<1x128x128xf32, #tpu.memory_space<vmem>>
      %dma_wait3A_62 = tpu.memref_squeeze %dma_wait3A_61 : memref<1x128x128xf32, #tpu.memory_space<vmem>> -> memref<128x128xf32, #tpu.memory_space<vmem>>
      %dma_wait3A_63 = arith.constant 0 : i32
      %dma_wait3A_64 = tpu.memref_slice %arg9[%scan3A_53, %dma_wait3A_63] : memref<40x128xi32, #tpu.memory_space<vmem>> -> memref<1x128xi32, #tpu.memory_space<vmem>>
      %dma_wait3A_65 = tpu.memref_squeeze %dma_wait3A_64 : memref<1x128xi32, #tpu.memory_space<vmem>> -> memref<128xi32, #tpu.memory_space<vmem>>
      %dma_wait3A_66 = arith.constant 0 : i32
      %dma_wait3A_67 = arith.constant 0 : i32
      %dma_wait3A_68 = tpu.memref_slice %arg2[%dma_wait3A_66, %dma_wait3A_67] : memref<10240x128xf32, #tpu.memory_space<hbm>> -> memref<10240x128xf32, #tpu.memory_space<hbm>>
      tpu.wait_indirect_dma semaphore(%arg13 : memref<!tpu.dma_semaphore, #tpu.memory_space<semaphore_mem>>) src(%dma_wait3A_68 : memref<10240x128xf32, #tpu.memory_space<hbm>>) dst(%dma_wait3A_62 : memref<128x128xf32, #tpu.memory_space<vmem>>)
      %dma_start3A_69 = arith.constant 0 : i32
      %dma_start3A_70 = arith.constant 0 : i32
      %dma_start3A_71 = tpu.memref_slice %arg11[%rem3A_54, %dma_start3A_69, %dma_start3A_70] : memref<2x128x128xf32, #tpu.memory_space<vmem>> -> memref<1x128x128xf32, #tpu.memory_space<vmem>>
      %dma_start3A_72 = tpu.memref_squeeze %dma_start3A_71 : memref<1x128x128xf32, #tpu.memory_space<vmem>> -> memref<128x128xf32, #tpu.memory_space<vmem>>
      %dma_start3A_73 = arith.constant 0 : i32
      %dma_start3A_74 = tpu.memref_slice %arg10[%scan3A_53, %dma_start3A_73] : memref<40x128xi32, #tpu.memory_space<vmem>> -> memref<1x128xi32, #tpu.memory_space<vmem>>
      %dma_start3A_75 = tpu.memref_squeeze %dma_start3A_74 : memref<1x128xi32, #tpu.memory_space<vmem>> -> memref<128xi32, #tpu.memory_space<vmem>>
      %dma_start3A_76 = arith.constant 0 : i32
      %dma_start3A_77 = arith.constant 0 : i32
      %dma_start3A_78 = tpu.memref_slice %arg12[%dma_start3A_76, %dma_start3A_77] : memref<10240x128xf32, #tpu.memory_space<vmem_shared>> -> memref<10240x128xf32, #tpu.memory_space<vmem_shared>>
      tpu.enqueue_indirect_dma source(%dma_start3A_72 : memref<128x128xf32, #tpu.memory_space<vmem>>) target(%dma_start3A_78 : memref<10240x128xf32, #tpu.memory_space<vmem_shared>>) offsets(%dma_start3A_75 : memref<128xi32, #tpu.memory_space<vmem>>) semaphore(%arg14 : memref<!tpu.dma_semaphore, #tpu.memory_space<semaphore_mem>>) {add = true}
      %add3A_79 = arith.constant 1 : i32
      %add3A_80 = arith.addi %scan3A_53, %add3A_79 : i32
      %lt3A = arith.constant 40 : i32
      %lt3A_81 = arith.cmpi slt, %add3A_80, %lt3A : i32
      %convert_element_type3A = arith.extui %lt3A_81 : i1 to i32
      %cond3A = arith.constant 0 : i32
      %cond3A_82 = arith.cmpi ne, %convert_element_type3A, %cond3A : i32
      scf.if %cond3A_82 {
        %add3A_83 = arith.constant 1 : i32
        %add3A_84 = arith.addi %scan3A_53, %add3A_83 : i32
        %dma_start3A_85 = arith.constant 0 : i32
        %dma_start3A_86 = arith.constant 0 : i32
        %dma_start3A_87 = tpu.memref_slice %arg11[%rem3A_58, %dma_start3A_85, %dma_start3A_86] : memref<2x128x128xf32, #tpu.memory_space<vmem>> -> memref<1x128x128xf32, #tpu.memory_space<vmem>>
        %dma_start3A_88 = tpu.memref_squeeze %dma_start3A_87 : memref<1x128x128xf32, #tpu.memory_space<vmem>> -> memref<128x128xf32, #tpu.memory_space<vmem>>
        %dma_start3A_89 = arith.constant 0 : i32
        %dma_start3A_90 = tpu.memref_slice %arg9[%add3A_84, %dma_start3A_89] : memref<40x128xi32, #tpu.memory_space<vmem>> -> memref<1x128xi32, #tpu.memory_space<vmem>>
        %dma_start3A_91 = tpu.memref_squeeze %dma_start3A_90 : memref<1x128xi32, #tpu.memory_space<vmem>> -> memref<128xi32, #tpu.memory_space<vmem>>
        %dma_start3A_92 = arith.constant 0 : i32
        %dma_start3A_93 = arith.constant 0 : i32
        %dma_start3A_94 = tpu.memref_slice %arg2[%dma_start3A_92, %dma_start3A_93] : memref<10240x128xf32, #tpu.memory_space<hbm>> -> memref<10240x128xf32, #tpu.memory_space<hbm>>
        tpu.enqueue_indirect_dma source(%dma_start3A_94 : memref<10240x128xf32, #tpu.memory_space<hbm>>) target(%dma_start3A_88 : memref<128x128xf32, #tpu.memory_space<vmem>>) offsets(%dma_start3A_91 : memref<128xi32, #tpu.memory_space<vmem>>) semaphore(%arg13 : memref<!tpu.dma_semaphore, #tpu.memory_space<semaphore_mem>>)
      } else {
      }
    }
    %scan3A_41 = arith.constant 40 : i32
    %dma_wait3A_42 = arith.constant 0 : i32
    %dma_wait3A_43 = arith.constant 0 : i32
    %dma_wait3A_44 = tpu.memref_slice %arg12[%dma_wait3A_42, %dma_wait3A_43] : memref<10240x128xf32, #tpu.memory_space<vmem_shared>> -> memref<5120x128xf32, #tpu.memory_space<vmem_shared>>
    %dma_wait3A_45 = arith.constant 0 : i32
    %dma_wait3A_46 = arith.constant 0 : i32
    %dma_wait3A_47 = tpu.memref_slice %arg2[%dma_wait3A_45, %dma_wait3A_46] : memref<10240x128xf32, #tpu.memory_space<hbm>> -> memref<5120x128xf32, #tpu.memory_space<hbm>>
    tpu.wait_dma2 semaphore(%arg14 : memref<!tpu.dma_semaphore, #tpu.memory_space<semaphore_mem>>) src(%dma_wait3A_47 : memref<5120x128xf32, #tpu.memory_space<hbm>>) dst(%dma_wait3A_44 : memref<5120x128xf32, #tpu.memory_space<vmem_shared>>)
    %barrier3A_48 = arith.constant 0 : index
    tpu.barrier barrier_id(%barrier3A_48)
    %mul3A_49 = arith.constant 640 : i32
    %mul3A_50 = arith.muli %arg1, %mul3A_49 : i32
    %mul3A_51 = arith.constant 640 : i32
    %mul3A_52 = arith.muli %arg1, %mul3A_51 : i32
    "tpu.region"() ({
      %run_scoped3A = tpu.sem_alloc : memref<!tpu.dma_semaphore, #tpu.memory_space<semaphore_mem>>
      %dma_start3A_53 = arith.constant 0 : i32
      %dma_start3A_54 = tpu.memref_slice %arg8[%arg0, %mul3A_52, %dma_start3A_53] : memref<2x10240x128xf32, #tpu.memory_space<hbm>> -> memref<1x640x128xf32, #tpu.memory_space<hbm>>
      %dma_start3A_55 = tpu.memref_squeeze %dma_start3A_54 : memref<1x640x128xf32, #tpu.memory_space<hbm>> -> memref<640x128xf32, #tpu.memory_space<hbm>>
      %dma_start3A_56 = arith.constant 0 : i32
      %dma_start3A_57 = tpu.memref_slice %arg12[%mul3A_50, %dma_start3A_56] : memref<10240x128xf32, #tpu.memory_space<vmem_shared>> -> memref<640x128xf32, #tpu.memory_space<vmem_shared>>
      tpu.enqueue_dma source(%dma_start3A_57 : memref<640x128xf32, #tpu.memory_space<vmem_shared>>) target(%dma_start3A_55 : memref<640x128xf32, #tpu.memory_space<hbm>>) target_semaphore(%run_scoped3A : memref<!tpu.dma_semaphore, #tpu.memory_space<semaphore_mem>>)
      %dma_wait3A_58 = arith.constant 0 : i32
      %dma_wait3A_59 = tpu.memref_slice %arg8[%arg0, %mul3A_52, %dma_wait3A_58] : memref<2x10240x128xf32, #tpu.memory_space<hbm>> -> memref<1x640x128xf32, #tpu.memory_space<hbm>>
      %dma_wait3A_60 = tpu.memref_squeeze %dma_wait3A_59 : memref<1x640x128xf32, #tpu.memory_space<hbm>> -> memref<640x128xf32, #tpu.memory_space<hbm>>
      %dma_wait3A_61 = arith.constant 0 : i32
      %dma_wait3A_62 = tpu.memref_slice %arg12[%mul3A_50, %dma_wait3A_61] : memref<10240x128xf32, #tpu.memory_space<vmem_shared>> -> memref<640x128xf32, #tpu.memory_space<vmem_shared>>
      tpu.wait_dma2 semaphore(%run_scoped3A : memref<!tpu.dma_semaphore, #tpu.memory_space<semaphore_mem>>) src(%dma_wait3A_62 : memref<640x128xf32, #tpu.memory_space<vmem_shared>>) dst(%dma_wait3A_60 : memref<640x128xf32, #tpu.memory_space<hbm>>)
      tpu.yield
    }) : () -> ()
    return
  }
}

module attributes {stable_mosaic.version = 14 : i64} {
  func.func @body(%arg0: i32, %arg1: memref<1x1024x128xf32, #tpu.memory_space<vmem>>, %arg2: memref<1x1024x128xf32, #tpu.memory_space<vmem>>, %arg3: memref<1x1024x1xf32, #tpu.memory_space<vmem>>, %arg4: memref<1x1024x1xf32, #tpu.memory_space<vmem>>, %arg5: memref<1024x128xf32, #tpu.memory_space<vmem>>, %arg6: memref<128x128xf32, #tpu.memory_space<vmem>>, %arg7: memref<128x128xf32, #tpu.memory_space<vmem>>, %arg8: memref<1x128xf32, #tpu.memory_space<vmem>>, %arg9: memref<1024x128xf32, #tpu.memory_space<vmem>>) attributes {dimension_semantics = [#tpu.dimension_semantics<arbitrary>], iteration_bounds = array<i64: 10>, scalar_prefetch = 0 : i64, scratch_operands = 0 : i64, tpu.core_type = #tpu.core_type<tc>, window_params = [{transform_indices = @transform_0, window_bounds = array<i64: 1, 1024, 128>}, {transform_indices = @transform_1, window_bounds = array<i64: 1, 1024, 128>}, {transform_indices = @transform_2, window_bounds = array<i64: 1, 1024, 1>}, {transform_indices = @transform_3, window_bounds = array<i64: 1, 1024, 1>}, {transform_indices = @transform_4, window_bounds = array<i64: 1024, 128>}, {pipeline_mode = #tpu.pipeline_mode<synchronous>, transform_indices = @transform_5, window_bounds = array<i64: 128, 128>}, {pipeline_mode = #tpu.pipeline_mode<synchronous>, transform_indices = @transform_6, window_bounds = array<i64: 128, 128>}, {pipeline_mode = #tpu.pipeline_mode<synchronous>, transform_indices = @transform_7, window_bounds = array<i64: 1, 128>}, {transform_indices = @transform_8, window_bounds = array<i64: 1024, 128>}]} {
    %get3A = arith.constant 0 : index
    %get3A_0 = arith.constant 0 : index
    %get3A_1 = arith.constant 0 : index
    %get3A_2 = vector.load %arg1[%get3A, %get3A_0, %get3A_1] : memref<1x1024x128xf32, #tpu.memory_space<vmem>>, vector<1x1024x128xf32>
    %get3A_3 = vector.shape_cast %get3A_2 : vector<1x1024x128xf32> to vector<1024x128xf32>
    %get3A_4 = arith.constant 0 : index
    %get3A_5 = arith.constant 0 : index
    %get3A_6 = arith.constant 0 : index
    %get3A_7 = vector.load %arg2[%get3A_4, %get3A_5, %get3A_6] : memref<1x1024x128xf32, #tpu.memory_space<vmem>>, vector<1x1024x128xf32>
    %get3A_8 = vector.shape_cast %get3A_7 : vector<1x1024x128xf32> to vector<1024x128xf32>
    %add3A = arith.addf %get3A_3, %get3A_8 : vector<1024x128xf32>
    %get3A_9 = arith.constant 0 : index
    %get3A_10 = arith.constant 0 : index
    %get3A_11 = arith.constant 0 : index
    %get3A_12 = vector.load %arg3[%get3A_9, %get3A_10, %get3A_11] : memref<1x1024x1xf32, #tpu.memory_space<vmem>>, vector<1x1024x1xf32>
    %get3A_13 = vector.shape_cast %get3A_12 : vector<1x1024x1xf32> to vector<1024x1xf32>
    %get3A_14 = arith.constant 0 : index
    %get3A_15 = arith.constant 0 : index
    %get3A_16 = arith.constant 0 : index
    %get3A_17 = vector.load %arg4[%get3A_14, %get3A_15, %get3A_16] : memref<1x1024x1xf32, #tpu.memory_space<vmem>>, vector<1x1024x1xf32>
    %get3A_18 = vector.shape_cast %get3A_17 : vector<1x1024x1xf32> to vector<1024x1xf32>
    %add3A_19 = arith.addf %get3A_13, %get3A_18 : vector<1024x1xf32>
    %max3A = arith.constant 1.000000e+00 : f32
    %max3A_20 = vector.broadcast %max3A : f32 to vector<1024x1xf32>
    %max3A_21 = arith.maximumf %add3A_19, %max3A_20 : vector<1024x1xf32>
    %div3A = vector.broadcast %max3A_21 : vector<1024x1xf32> to vector<1024x128xf32>
    %div3A_22 = arith.divf %add3A, %div3A : vector<1024x128xf32>
    %get3A_23 = arith.constant 0 : index
    %get3A_24 = arith.constant 0 : index
    %get3A_25 = vector.load %arg6[%get3A_23, %get3A_24] : memref<128x128xf32, #tpu.memory_space<vmem>>, vector<128x128xf32>
    %dot_general3A = arith.constant dense<0.000000e+00> : vector<1024x128xf32>
    %dot_general3A_26 = tpu.matmul %div3A_22, %get3A_25, %dot_general3A {dimension_numbers = #tpu.dot_dimension_numbers<[1], [0], [0], [1], [0, 0, 1, 1], [], []>, transpose_lhs_hint = false} : vector<1024x128xf32>, vector<128x128xf32>, vector<1024x128xf32> -> vector<1024x128xf32>
    %get3A_27 = arith.constant 0 : index
    %get3A_28 = arith.constant 0 : index
    %get3A_29 = vector.load %arg5[%get3A_27, %get3A_28] : memref<1024x128xf32, #tpu.memory_space<vmem>>, vector<1024x128xf32>
    %get3A_30 = arith.constant 0 : index
    %get3A_31 = arith.constant 0 : index
    %get3A_32 = vector.load %arg7[%get3A_30, %get3A_31] : memref<128x128xf32, #tpu.memory_space<vmem>>, vector<128x128xf32>
    %dot_general3A_33 = arith.constant dense<0.000000e+00> : vector<1024x128xf32>
    %dot_general3A_34 = tpu.matmul %get3A_29, %get3A_32, %dot_general3A_33 {dimension_numbers = #tpu.dot_dimension_numbers<[1], [0], [0], [1], [0, 0, 1, 1], [], []>, transpose_lhs_hint = false} : vector<1024x128xf32>, vector<128x128xf32>, vector<1024x128xf32> -> vector<1024x128xf32>
    %add3A_35 = arith.addf %dot_general3A_26, %dot_general3A_34 : vector<1024x128xf32>
    %get3A_36 = arith.constant 0 : index
    %get3A_37 = arith.constant 0 : index
    %get3A_38 = vector.load %arg8[%get3A_36, %get3A_37] : memref<1x128xf32, #tpu.memory_space<vmem>>, vector<1x128xf32>
    %add3A_39 = vector.broadcast %get3A_38 : vector<1x128xf32> to vector<1024x128xf32>
    %add3A_40 = arith.addf %add3A_35, %add3A_39 : vector<1024x128xf32>
    %max3A_41 = arith.constant 0.000000e+00 : f32
    %max3A_42 = vector.broadcast %max3A_41 : f32 to vector<1024x128xf32>
    %max3A_43 = arith.maximumf %add3A_40, %max3A_42 : vector<1024x128xf32>
    %swap3A = arith.constant 0 : index
    %swap3A_44 = arith.constant 0 : index
    %swap3A_45 = vector.load %arg9[%swap3A, %swap3A_44] : memref<1024x128xf32, #tpu.memory_space<vmem>>, vector<1024x128xf32>
    tpu.vector_store %arg9[%swap3A, %swap3A_44], %max3A_43 {strides = array<i32>} : memref<1024x128xf32, #tpu.memory_space<vmem>>, vector<1024x128xf32>,
    return
  }
  func.func @transform_0(%arg0: i32) -> (i32, i32, i32) {
    %c0_i32 = arith.constant 0 : i32
    %c0_i32_0 = arith.constant 0 : i32
    %c0_i32_1 = arith.constant 0 : i32
    return %c0_i32, %arg0, %c0_i32_0 : i32, i32, i32
  }
  func.func @transform_1(%arg0: i32) -> (i32, i32, i32) {
    %c1_i32 = arith.constant 1 : i32
    %c0_i32 = arith.constant 0 : i32
    %c0_i32_0 = arith.constant 0 : i32
    return %c1_i32, %arg0, %c0_i32 : i32, i32, i32
  }
  func.func @transform_2(%arg0: i32) -> (i32, i32, i32) {
    %c0_i32 = arith.constant 0 : i32
    %c0_i32_0 = arith.constant 0 : i32
    %c0_i32_1 = arith.constant 0 : i32
    return %c0_i32, %arg0, %c0_i32_0 : i32, i32, i32
  }
  func.func @transform_3(%arg0: i32) -> (i32, i32, i32) {
    %c1_i32 = arith.constant 1 : i32
    %c0_i32 = arith.constant 0 : i32
    %c0_i32_0 = arith.constant 0 : i32
    return %c1_i32, %arg0, %c0_i32 : i32, i32, i32
  }
  func.func @transform_4(%arg0: i32) -> (i32, i32) {
    %c0_i32 = arith.constant 0 : i32
    %c0_i32_0 = arith.constant 0 : i32
    return %arg0, %c0_i32 : i32, i32
  }
  func.func @transform_5(%arg0: i32) -> (i32, i32) {
    %c0_i32 = arith.constant 0 : i32
    %c0_i32_0 = arith.constant 0 : i32
    %c0_i32_1 = arith.constant 0 : i32
    return %c0_i32, %c0_i32_0 : i32, i32
  }
  func.func @transform_6(%arg0: i32) -> (i32, i32) {
    %c0_i32 = arith.constant 0 : i32
    %c0_i32_0 = arith.constant 0 : i32
    %c0_i32_1 = arith.constant 0 : i32
    return %c0_i32, %c0_i32_0 : i32, i32
  }
  func.func @transform_7(%arg0: i32) -> (i32, i32) {
    %c0_i32 = arith.constant 0 : i32
    %c0_i32_0 = arith.constant 0 : i32
    %c0_i32_1 = arith.constant 0 : i32
    return %c0_i32, %c0_i32_0 : i32, i32
  }
  func.func @transform_8(%arg0: i32) -> (i32, i32) {
    %c0_i32 = arith.constant 0 : i32
    %c0_i32_0 = arith.constant 0 : i32
    return %arg0, %c0_i32 : i32, i32
  }
}

module attributes {stable_mosaic.version = 14 : i64} {
  func.func @body(%arg0: i32, %arg1: memref<1x1024x128xf32, #tpu.memory_space<vmem>>, %arg2: memref<1x1024x128xf32, #tpu.memory_space<vmem>>, %arg3: memref<1x1024x1xf32, #tpu.memory_space<vmem>>, %arg4: memref<1x1024x1xf32, #tpu.memory_space<vmem>>, %arg5: memref<1024x128xf32, #tpu.memory_space<vmem>>, %arg6: memref<128x128xf32, #tpu.memory_space<vmem>>, %arg7: memref<128x128xf32, #tpu.memory_space<vmem>>, %arg8: memref<1x128xf32, #tpu.memory_space<vmem>>, %arg9: memref<1024x128xf32, #tpu.memory_space<vmem>>) attributes {dimension_semantics = [#tpu.dimension_semantics<arbitrary>], iteration_bounds = array<i64: 10>, scalar_prefetch = 0 : i64, scratch_operands = 0 : i64, tpu.core_type = #tpu.core_type<tc>, window_params = [{transform_indices = @transform_0, window_bounds = array<i64: 1, 1024, 128>}, {transform_indices = @transform_1, window_bounds = array<i64: 1, 1024, 128>}, {transform_indices = @transform_2, window_bounds = array<i64: 1, 1024, 1>}, {transform_indices = @transform_3, window_bounds = array<i64: 1, 1024, 1>}, {transform_indices = @transform_4, window_bounds = array<i64: 1024, 128>}, {pipeline_mode = #tpu.pipeline_mode<synchronous>, transform_indices = @transform_5, window_bounds = array<i64: 128, 128>}, {pipeline_mode = #tpu.pipeline_mode<synchronous>, transform_indices = @transform_6, window_bounds = array<i64: 128, 128>}, {pipeline_mode = #tpu.pipeline_mode<synchronous>, transform_indices = @transform_7, window_bounds = array<i64: 1, 128>}, {transform_indices = @transform_8, window_bounds = array<i64: 1024, 128>}]} {
    %get3A = arith.constant 0 : index
    %get3A_0 = arith.constant 0 : index
    %get3A_1 = arith.constant 0 : index
    %get3A_2 = vector.load %arg1[%get3A, %get3A_0, %get3A_1] : memref<1x1024x128xf32, #tpu.memory_space<vmem>>, vector<1x1024x128xf32>
    %get3A_3 = vector.shape_cast %get3A_2 : vector<1x1024x128xf32> to vector<1024x128xf32>
    %get3A_4 = arith.constant 0 : index
    %get3A_5 = arith.constant 0 : index
    %get3A_6 = arith.constant 0 : index
    %get3A_7 = vector.load %arg2[%get3A_4, %get3A_5, %get3A_6] : memref<1x1024x128xf32, #tpu.memory_space<vmem>>, vector<1x1024x128xf32>
    %get3A_8 = vector.shape_cast %get3A_7 : vector<1x1024x128xf32> to vector<1024x128xf32>
    %add3A = arith.addf %get3A_3, %get3A_8 : vector<1024x128xf32>
    %get3A_9 = arith.constant 0 : index
    %get3A_10 = arith.constant 0 : index
    %get3A_11 = arith.constant 0 : index
    %get3A_12 = vector.load %arg3[%get3A_9, %get3A_10, %get3A_11] : memref<1x1024x1xf32, #tpu.memory_space<vmem>>, vector<1x1024x1xf32>
    %get3A_13 = vector.shape_cast %get3A_12 : vector<1x1024x1xf32> to vector<1024x1xf32>
    %get3A_14 = arith.constant 0 : index
    %get3A_15 = arith.constant 0 : index
    %get3A_16 = arith.constant 0 : index
    %get3A_17 = vector.load %arg4[%get3A_14, %get3A_15, %get3A_16] : memref<1x1024x1xf32, #tpu.memory_space<vmem>>, vector<1x1024x1xf32>
    %get3A_18 = vector.shape_cast %get3A_17 : vector<1x1024x1xf32> to vector<1024x1xf32>
    %add3A_19 = arith.addf %get3A_13, %get3A_18 : vector<1024x1xf32>
    %max3A = arith.constant 1.000000e+00 : f32
    %max3A_20 = vector.broadcast %max3A : f32 to vector<1024x1xf32>
    %max3A_21 = arith.maximumf %add3A_19, %max3A_20 : vector<1024x1xf32>
    %div3A = vector.broadcast %max3A_21 : vector<1024x1xf32> to vector<1024x128xf32>
    %div3A_22 = arith.divf %add3A, %div3A : vector<1024x128xf32>
    %get3A_23 = arith.constant 0 : index
    %get3A_24 = arith.constant 0 : index
    %get3A_25 = vector.load %arg6[%get3A_23, %get3A_24] : memref<128x128xf32, #tpu.memory_space<vmem>>, vector<128x128xf32>
    %dot_general3A = arith.constant dense<0.000000e+00> : vector<1024x128xf32>
    %dot_general3A_26 = tpu.matmul %div3A_22, %get3A_25, %dot_general3A {dimension_numbers = #tpu.dot_dimension_numbers<[1], [0], [0], [1], [0, 0, 1, 1], [], []>, transpose_lhs_hint = false} : vector<1024x128xf32>, vector<128x128xf32>, vector<1024x128xf32> -> vector<1024x128xf32>
    %get3A_27 = arith.constant 0 : index
    %get3A_28 = arith.constant 0 : index
    %get3A_29 = vector.load %arg5[%get3A_27, %get3A_28] : memref<1024x128xf32, #tpu.memory_space<vmem>>, vector<1024x128xf32>
    %get3A_30 = arith.constant 0 : index
    %get3A_31 = arith.constant 0 : index
    %get3A_32 = vector.load %arg7[%get3A_30, %get3A_31] : memref<128x128xf32, #tpu.memory_space<vmem>>, vector<128x128xf32>
    %dot_general3A_33 = arith.constant dense<0.000000e+00> : vector<1024x128xf32>
    %dot_general3A_34 = tpu.matmul %get3A_29, %get3A_32, %dot_general3A_33 {dimension_numbers = #tpu.dot_dimension_numbers<[1], [0], [0], [1], [0, 0, 1, 1], [], []>, transpose_lhs_hint = false} : vector<1024x128xf32>, vector<128x128xf32>, vector<1024x128xf32> -> vector<1024x128xf32>
    %add3A_35 = arith.addf %dot_general3A_26, %dot_general3A_34 : vector<1024x128xf32>
    %get3A_36 = arith.constant 0 : index
    %get3A_37 = arith.constant 0 : index
    %get3A_38 = vector.load %arg8[%get3A_36, %get3A_37] : memref<1x128xf32, #tpu.memory_space<vmem>>, vector<1x128xf32>
    %add3A_39 = vector.broadcast %get3A_38 : vector<1x128xf32> to vector<1024x128xf32>
    %add3A_40 = arith.addf %add3A_35, %add3A_39 : vector<1024x128xf32>
    %swap3A = arith.constant 0 : index
    %swap3A_41 = arith.constant 0 : index
    %swap3A_42 = vector.load %arg9[%swap3A, %swap3A_41] : memref<1024x128xf32, #tpu.memory_space<vmem>>, vector<1024x128xf32>
    tpu.vector_store %arg9[%swap3A, %swap3A_41], %add3A_40 {strides = array<i32>} : memref<1024x128xf32, #tpu.memory_space<vmem>>, vector<1024x128xf32>,
    return
  }
  func.func @transform_0(%arg0: i32) -> (i32, i32, i32) {
    %c0_i32 = arith.constant 0 : i32
    %c0_i32_0 = arith.constant 0 : i32
    %c0_i32_1 = arith.constant 0 : i32
    return %c0_i32, %arg0, %c0_i32_0 : i32, i32, i32
  }
  func.func @transform_1(%arg0: i32) -> (i32, i32, i32) {
    %c1_i32 = arith.constant 1 : i32
    %c0_i32 = arith.constant 0 : i32
    %c0_i32_0 = arith.constant 0 : i32
    return %c1_i32, %arg0, %c0_i32 : i32, i32, i32
  }
  func.func @transform_2(%arg0: i32) -> (i32, i32, i32) {
    %c0_i32 = arith.constant 0 : i32
    %c0_i32_0 = arith.constant 0 : i32
    %c0_i32_1 = arith.constant 0 : i32
    return %c0_i32, %arg0, %c0_i32_0 : i32, i32, i32
  }
  func.func @transform_3(%arg0: i32) -> (i32, i32, i32) {
    %c1_i32 = arith.constant 1 : i32
    %c0_i32 = arith.constant 0 : i32
    %c0_i32_0 = arith.constant 0 : i32
    return %c1_i32, %arg0, %c0_i32 : i32, i32, i32
  }
  func.func @transform_4(%arg0: i32) -> (i32, i32) {
    %c0_i32 = arith.constant 0 : i32
    %c0_i32_0 = arith.constant 0 : i32
    return %arg0, %c0_i32 : i32, i32
  }
  func.func @transform_5(%arg0: i32) -> (i32, i32) {
    %c0_i32 = arith.constant 0 : i32
    %c0_i32_0 = arith.constant 0 : i32
    %c0_i32_1 = arith.constant 0 : i32
    return %c0_i32, %c0_i32_0 : i32, i32
  }
  func.func @transform_6(%arg0: i32) -> (i32, i32) {
    %c0_i32 = arith.constant 0 : i32
    %c0_i32_0 = arith.constant 0 : i32
    %c0_i32_1 = arith.constant 0 : i32
    return %c0_i32, %c0_i32_0 : i32, i32
  }
  func.func @transform_7(%arg0: i32) -> (i32, i32) {
    %c0_i32 = arith.constant 0 : i32
    %c0_i32_0 = arith.constant 0 : i32
    %c0_i32_1 = arith.constant 0 : i32
    return %c0_i32, %c0_i32_0 : i32, i32
  }
  func.func @transform_8(%arg0: i32) -> (i32, i32) {
    %c0_i32 = arith.constant 0 : i32
    %c0_i32_0 = arith.constant 0 : i32
    return %arg0, %c0_i32 : i32, i32
  }
}

</mosaic_0001>

<sc_bundles>
// kernel: kernel.6.cloned.1.call-start
scs
__scs_entry_jumppad:
0x0: {  	(pc) =	sbr.rel $0x88, $3  }
0x1: {  	(tag) =	ssettag $0x0;
	lr =	simm.s32 $0x1  }
0x2: {  	[smem:$0x3F99] =	sst lr;
	_ =	strace $0xD0000000  }
0x3: {  	_ = 	snop  }
0x4: {  	_ = 	snop  }
0x5: {  	_ = 	snop  }
0x6: {  	_ = 	snop  }
0x7: {  	_ = 	snop  }
__scs_overlays_trampoline_lowered:
0x8: {  	[smem:$0x3FA8] =	sst s0  }
0x9: {  	[smem:$0x3FA9] =	sst s1  }
0xa: {  	[smem:$0x3FAA] =	sst s2  }
0xb: {  	[smem:$0x3FAB] =	sst s3  }
0xc: {  	[smem:$0x3FAC] =	sst s4  }
0xd: {  	[smem:$0x3FAD] =	sst s5  }
0xe: {  	[smem:$0x3FAE] =	sst s6  }
0xf: {  	[smem:$0x3FAF] =	sst s7  }
0x10: {  	[smem:$0x3FB0] =	sst s8  }
0x11: {  	[smem:$0x3FB1] =	sst s9;
	s0 =	simm.s32 @!p0 $0x0  }
0x12: {  	s1 =	sld [smem:$0x3F97];
	s0 =	simm.s32 @p0 $0x1  }
0x13: {  	[smem:$0x3FB2] =	sst s0;
	s0 =	simm.s32 @!p1 $0x0  }
0x14: {  	s2 =	sld [smem:$0x3F96];
	s0 =	simm.s32 @p1 $0x1  }
0x15: {  	[smem:$0x3FB3] =	sst s0;
	s0 =	simm.s32 @!p2 $0x0  }
0x16: {  	s3 =	sld [smem:$0x3FDB];
	s0 =	simm.s32 @p2 $0x1  }
0x17: {  	s4 =	simm.s32 $0x1BF5;
	[smem:$0x3FB5] =	sst s0  }
0x18: {  	s0 =	sld [smem:$0x3F98];
	_ =	swait.ge [sflag:s4], $0x0  }
0x19: {  	s7 =	sld [smem:$0x3F99]  }
0x1a: {  	s8 =	sadd.s32 $0xFFFFE003, lr  }
0x1b: {  	s9 =	sadd.s32 $0xFFFFFEF7, lr;
	s5 =	simm.s32 $0xFFFFFFFF;
	p2 =	slt.u32 s8, $0xFFFFF086  }
0x1c: {  	p1 =	slt.u32 s9, $0xF7A;
	s5 =	simm.s32 @!p2 $0x0  }
0x1d: {  	s5 =	simm.s32 @p1 $0x1;
	p0 =	seq.s32 s7, s2  }
0x1e: {  	s7 =	smul.u32 @!p0 $0xF7A, s2;
	p2 =	seq.s32 @!p0 s5, $0x0  }
0x1f: {  	s9 =	smul.u32 $0xF7A, s1;
	s8 =	simm.s32 @!p0 $0x1BF5;
	p2 =	por !p2, p0  }
0x20: {  	[sflag:s8] =	ssyncset.s32 @!p0 $0xFFFFF086;
	s6 =	sadd.s32 @!p0 s3, s7;
	s7 =	simm.s32 @!p0 $0x108  }
0x21: {  	s3 =	sadd.s32 s3, s9;
	s6 =	sadd.s32 @!p0 $0x88, s6;
	s7 =	simm.s32 @p2 $0x1082  }
0x22: {  	[simem:s7], [sflag:s8] =	dma.local @!p0 [hbm:s6], $0xF7A  }
0x23: {  	s9 =	sor.u32 $0xD0000000, s2;
	s6 =	simm.s32 $0x108;
	_ =	swait.ge @!p0 [sflag:s8], $0x0  }
0x24: {  	s3 =	sadd.s32 $0x88, s3;
	s6 =	simm.s32 @!p1 $0x1082;
	[sflag:s4] =	ssyncset.s32 $0xFFFFF086  }
0x25: {  	[simem:s6], [sflag:s4] =	dma.local [hbm:s3], $0xF7A  }
0x26: {  	[smem:$0x3F99] =	sst s1;
	(tag) =	ssettag s2;
	_ =	strace s9  }
0x27: {  	s1 =	sld [smem:$0x3FA9]  }
0x28: {  	s2 =	sld [smem:$0x3FAA]  }
0x29: {  	s4 =	sld [smem:$0x3FAC]  }
0x2a: {  	p0 =	seq.s32 s5, $0x0;
	s5 =	sld [smem:$0x3FAD]  }
0x2b: {  	s6 =	sld [smem:$0x3FAE]  }
0x2c: {  	s7 =	sld [smem:$0x3FAF]  }
0x2d: {  	s3 =	simm.s32 $0x108;
	s8 =	sld [smem:$0x3FB0]  }
0x2e: {  	s3 =	simm.s32 @!p0 $0x1082;
	s9 =	sld [smem:$0x3FB1]  }
0x2f: {  	lr =	sadd.s32 s0, s3;
	s0 =	sld [smem:$0x3FA8]  }
0x30: {  	s3 =	sld [smem:$0x3FAB]  }
0x31: {  	[smem:$0x3FB4] =	sst s10  }
0x32: {  	s10 =	sld [smem:$0x3FB2];
	_ =	sdelay $0x3  }
0x33: {  	p0 =	seq.s32 s10, $0x1;
	s10 =	sld [smem:$0x3FB4];
	_ =	sdelay $0x3  }
0x34: {  	[smem:$0x3FB4] =	sst s10  }
0x35: {  	s10 =	sld [smem:$0x3FB3];
	_ =	sdelay $0x3  }
0x36: {  	p1 =	seq.s32 s10, $0x1;
	s10 =	sld [smem:$0x3FB4];
	_ =	sdelay $0x3  }
0x37: {  	[smem:$0x3FB4] =	sst s10  }
0x38: {  	s10 =	sld [smem:$0x3FB5]  }
0x39: {  	_ = 	snop;
	(pc) =	sbr.ind lr, $3  }
0x3a: {  	_ = 	snop  }
0x3b: {  	_ = 	snop  }
0x3c: {  	p2 =	seq.s32 s10, $0x1;
	s10 =	sld [smem:$0x3FB4]  }
0x3d: {  	_ =	shalt  }
0x3e: {  	_ =	shalt  }
0x3f: {  	_ =	shalt  }
0x40: {  	_ =	shalt  }
0x41: {  	_ =	shalt  }
0x42: {  	_ =	shalt  }
0x43: {  	_ =	shalt  }
0x44: {  	_ =	shalt  }
0x45: {  	_ =	shalt  }
0x46: {  	_ =	shalt  }
0x47: {  	_ =	shalt  }
0x48: {  	_ =	shalt  }
0x49: {  	_ =	shalt  }
0x4a: {  	_ =	shalt  }
0x4b: {  	_ =	shalt  }
0x4c: {  	_ =	shalt  }
0x4d: {  	_ =	shalt  }
0x4e: {  	_ =	shalt  }
0x4f: {  	_ =	shalt  }
0x50: {  	_ =	shalt  }
0x51: {  	_ =	shalt  }
0x52: {  	_ =	shalt  }
0x53: {  	_ =	shalt  }
0x54: {  	_ =	shalt  }
0x55: {  	_ =	shalt  }
0x56: {  	_ =	shalt  }
0x57: {  	_ =	shalt  }
0x58: {  	_ =	shalt  }
0x59: {  	_ =	shalt  }
0x5a: {  	_ =	shalt  }
0x5b: {  	_ =	shalt  }
0x5c: {  	_ =	shalt  }
0x5d: {  	_ =	shalt  }
0x5e: {  	_ =	shalt  }
0x5f: {  	_ =	shalt  }
0x60: {  	_ =	shalt  }
0x61: {  	_ =	shalt  }
0x62: {  	_ =	shalt  }
0x63: {  	_ =	shalt  }
0x64: {  	_ =	shalt  }
0x65: {  	_ =	shalt  }
0x66: {  	_ =	shalt  }
0x67: {  	_ =	shalt  }
0x68: {  	_ =	shalt  }
0x69: {  	_ =	shalt  }
0x6a: {  	_ =	shalt  }
0x6b: {  	_ =	shalt  }
0x6c: {  	_ =	shalt  }
0x6d: {  	_ =	shalt  }
0x6e: {  	_ =	shalt  }
0x6f: {  	_ =	shalt  }
0x70: {  	_ =	shalt  }
0x71: {  	_ =	shalt  }
0x72: {  	_ =	shalt  }
0x73: {  	_ =	shalt  }
0x74: {  	_ =	shalt  }
0x75: {  	_ =	shalt  }
0x76: {  	_ =	shalt  }
0x77: {  	_ =	shalt  }
0x78: {  	_ =	shalt  }
0x79: {  	_ =	shalt  }
0x7a: {  	_ =	shalt  }
0x7b: {  	_ =	shalt  }
0x7c: {  	_ =	shalt  }
0x7d: {  	_ =	shalt  }
0x7e: {  	_ =	shalt  }
0x7f: {  	_ =	shalt  }
0x80: {  	_ =	shalt  }
0x81: {  	_ =	shalt  }
0x82: {  	_ =	shalt  }
0x83: {  	_ =	shalt  }
0x84: {  	_ =	shalt  }
0x85: {  	_ =	shalt  }
0x86: {  	_ =	shalt  }
0x87: {  	_ =	shalt  }
.Lfunc_end0:
.L_simem_size_0:
called_computation_lowered:
.L_overlay_start_0:
0x88: {  	s2 =	sld [smem:$0x3FD9]  }
0x89: {  	s3 =	sld [smem:$0x3FFE];
	_ =	sdelay $0x1  }
0x8a: {  	s1 =	srdreg.scid  }
0x8b: {  	s0 =	sand.u32 $0x1, s1  }
0x8c: {  	s17 =	sshll.u32 s0, $0xA;
	s2 =	sadd.s32 s3, s2  }
0x8d: {  	s2 =	sadd.s32 s2, s17  }
0x8e: {  	[smem:$0x3FC0] =	sst s2  }
0x8f: {  	_ = 	snop  }
0x90: {  	s2 =	sld [smem:$0x3FD0];
	(tm) =	ssettm $0x1  }
0x91: {  	s18 =	sld [smem:$0x3FFB];
	_ =	sdelay $0x3  }
0x92: {  	_ =	strace s18  }
0x93: {  	s3 =	sld [smem:$0x3FFC];
	_ =	sdelay $0x3  }
0x94: {  	_ =	strace s3  }
0x95: {  	s3 =	sld [smem:$0x3FFD];
	_ =	sdelay $0x3  }
0x96: {  	_ =	strace s3  }
0x97: {  	_ =	strace $0x8FFFFFFF  }
0x98: {  	s19 =	sld [smem:$0x3FDB];
	_ =	sdelay $0x1  }
0x99: {  	s4 =	simm.s32 $_scs_section_size  }
0x9a: {  	s5 =	simm.s32 $_size__tile_overlayer_lowered;
	s6 =	simm.s32 $_tile_overlayer_lowered  }
0x9b: {  	s22 =	simm.s32 $0x1BFF;
	s21 =	sshll.u32 s6, $0x1;
	s3 =	sadd.s32 s4, s19  }
0x9c: {  	s7 =	simm.s32 $0x0;
	s20 =	sshll.u32 s5, $0x1;
	s5 =	sadd.s32 s21, s3  }
0x9d: {  	[timem:s7], [sflag:s22] =	dma.local [hbm:s5], s20  }
0x9e: {  	_ =	swait.ge [sflag:s22], s20  }
0x9f: {  	s4 =	ssub.s32 $0x0, s20;
	[sflag:s22] =	ssyncset.done $0x0  }
0xa0: {  	[sflag:s22] =	ssyncadd.s32 s4;
	_ =	sdelay $0x1  }
0xa1: {  	s23 =	simm.s32 $0x1B8B  }
0xa2: {  	_ =	swait.ge [sflag:s23], $0x1  }
0xa3: {  	[sflag:s23] =	ssyncset.done $0x0  }
0xa4: {  	s25 =	simm.s32 $0x1B8E;
	s24 =	sld [smem:$0x3FFE];
	[sflag:s23] =	ssyncadd.s32 $0xFFFFFFFF  }
0xa5: {  	s26 =	simm.s32 $execute0_lowered;
	[smem:$0x3FD2] =	sst s25  }
0xa6: {  	s5 =	sshll.u32 s26, $0x1;
	_ =	strace $0x80000046;
	[dreg:$0x1] =	wrdreg $0xFFFFFFFF  }
0xa7: {  	s28 =	simm.s32 $_size_execute0_lowered;
	s3 =	sadd.s32 s3, s5;
	[dreg:$0x0] =	wrdreg $0x0  }
0xa8: {  	s5 =	sshll.u32 s28, $0x1;
	[dreg:$0x2] =	wrdreg s3  }
0xa9: {  	[dreg:$0x3] =	wrdreg s5  }
0xaa: {  	[dreg:$0x4] =	wrdreg $0xC0  }
0xab: {  	_ =	task [dreg:s7], $0x5FFFF  }
0xac: {  	[dreg:$0x1] =	wrdreg $0xFFFFFFFF  }
0xad: {  	[dreg:$0x0] =	wrdreg $0x60  }
0xae: {  	[dreg:$0x2] =	wrdreg s24  }
0xaf: {  	[dreg:$0x3] =	wrdreg s2  }
0xb0: {  	[dreg:$0x4] =	wrdreg $0xA8000  }
0xb1: {  	[dreg:$0x5] =	wrdreg $0x1E8800  }
0xb2: {  	[dreg:$0x6] =	wrdreg $0x9  }
0xb3: {  	_ =	task.clear_ibuf [dreg:s7], $0x7FFFF;
	_ =	strace $0x90000046  }
0xb4: {  	s29 =	simm.s32 $0x9;
	_ =	strace $0x80000048  }
0xb5: {  	_ =	swait.ge [sflag:s29], $0x1  }
0xb6: {  	[sflag:s29] =	ssyncadd.s32 $0xFFFFFFFF  }
0xb7: {  	_ =	strace $0x90000048  }
0xb8: {  	_ =	sfence  }
0xb9: {  	s30 =	sld [smem:$0x0];
	_ =	sdelay $0x2  }
0xba: {  	s31 =	sshll.u32 s1, $0xD;
	s1 =	sshrl.u32 s1, $0x2  }
0xbb: {  	s3 =	sand.u32 $0x4000, s31;
	s1 =	sadd.s32 s1, s30  }
0xbc: {  	s0 =	sor.u32 s3, s0;
	s1 =	sshll.u32 s1, $0x11  }
0xbd: {  	s0 =	sor.u32 s1, s0  }
0xbe: {  	s0 =	sadd.s32 $0x8F2B, s0  }
0xbf: {  	[sflag:s0] =	ssyncadd.remote.s32 $0x1  }
0xc0: {  	_ =	sfence.sel $0xFFFF  }
0xc1: {  	[dreg:$0x0] =	wrdreg $0xFFFFFFFF;
	(pc) =	sbr.abs _section_cstart, $3  }
0xc2: {  	[dreg:$0x1] =	wrdreg $0xFFFFFFFF  }
0xc3: {  	_ =	task.clear_ibuf [dreg:s7], $0x2FFFF;
	_ =	strace $0x9FFFFFFF  }
0xc4: {  	(tm) =	ssettm $0x7FFFFFFF  }
0xc5: {  	_ =	shalt  }
tec
execute0_lowered:
.L_overlay_start_1:
0x0: {  	(tag) =	ssettag $0x1  }
0x1: {  	s0 =	rddreg [dreg:$0x0]  }
0x2: {  	s3 =	rddreg [dreg:$0x1]  }
0x3: {  	s1 =	rddreg [dreg:$0x2]  }
0x4: {  	s2 =	rddreg [dreg:$0x3]  }
0x5: {  	s4 =	srdreg.scid;
	s6 =	stileid.u32;
	s18 =	simm.s32 $0x4  }
0x6: {  	s28 =	simm.s32 $0x3;
	s31 =	simm.s32 $0x0;
	s9 =	sand.u32 $0x1, s4  }
0x7: {  	s4 =	simm.s32 $0x0;
	s8 =	smul.u32 $0x14000, s6;
	s5 =	sadd.s32 $0xC800, s0  }
0x8: {  	s13 =	sadd.s32 $0x2800, s0;
	s10 =	sadd.s32 $0x34800, s0;
	s20 =	smul.u32 $0x500, s6  }
0x9: {  	s21 =	sadd.s32 $0x37000, s0;
	s22 =	sadd.s32 $0x37200, s0;
	s24 =	smul.u32 $0x50000, s6  }
0xa: {  	s15 =	smul.u32 $0xA00, s6;
	s25 =	sshll.u32 s6, $0x6;
	[smem:$0x7FF] =	sst s4  }
0xb: {  	s7 =	smul.u32 $0x140000, s9;
	_ =	strace $0x80000047;
	[dreg:$0x5] =	wrdreg s10  }
0xc: {  	s12 =	sshll.u32 s9, $0x7;
	s23 =	sshll.u32 s9, $0x4;
	[dreg:$0x6] =	wrdreg s21  }
0xd: {  	s9 =	ssub.s32 $0x2, s9;
	[dreg:$0x7] =	wrdreg s22;
	s10 =	sor.u32 s12, s20  }
0xe: {  	s16 =	sshrl.u32 s9, $0x1;
	s12 =	sshrl.u32 s24, $0x2;
	s26 =	sshrl.u32 s15, $0x2  }
0xf: {  	s20 =	simm.s32 $0x1E800;
	s21 =	simm.s32 $0x2800;
	s22 =	simm.s32 $0x1  }
0x10: {  	s24 =	simm.s32 $0x2780;
	s8 =	sadd.s32 s8, s7;
	s10 =	sshrl.u32 s10, $0x3  }
0x11: {  	s16 =	ssub.s32 s9, s16;
	s17 =	sadd.s32 s12, s1;
	s9 =	sor.u32 $0x1C04, s25  }
0x12: {  	s19 =	sadd.s32 s26, s2;
	s25 =	simm.s32 $0x6800;
	s11 =	sshrl.u32 s8, $0x3  }
0x13: {  	s26 =	simm.s32 $0x2;
	s14 =	sadd.s32 s11, s0;
	s11 =	sor.u32 s6, s23  }
0x14: {  	s16 =	smax.u32 s16, $0x1;
	s17 =	sshrl.u32 s17, $0x3;
	s11 =	smul.u32 $0x2800, s11  }
0x15: {  	s19 =	sshrl.u32 s19, $0x3;
	s0 =	sadd.s32 s10, s0;
	s23 =	simm.s32 $0x80  }
0x16: {  	s14 =	sadd.s32 $0x37E00, s14;
	s15 =	sadd.s32 $0x37400, s0;
	s11 =	sshrl.u32 s11, $0x3  }
0x17: {  	s29 =	sadd.s32 $0x280, s11;
	s30 =	sadd.s32 s3, s11;
	s11 =	sadd.s32 s13, s11  }
0x18: {  	[dreg:$0x8] =	wrdreg s30;
	s12 =	sadd.s32 s3, s29;
	s13 =	sadd.s32 s13, s29  }
.LBB2_1:
0x19: {  	s0 =	rddreg [dreg:$0x5]  }
0x1a: {  	[spmem:s17], [sflag:s9] =	dma.local [hbm:s0], $0x2800  }
0x1b: {  	_ =	swait.ge [sflag:s18], $0x2800  }
0x1c: {  	[sflag:s18] =	ssyncset.done $0x0  }
0x1d: {  	s6 =	rddreg [dreg:$0x6];
	[sflag:s18] =	ssyncadd.s32 $0xFFFFD800  }
0x1e: {  	[spmem:s19], [sflag:s9] =	dma.local [hbm:s6], $0x50  }
0x1f: {  	_ =	swait.ge [sflag:s18], $0x50  }
0x20: {  	[sflag:s18] =	ssyncset.done $0x0  }
0x21: {  	s7 =	rddreg [dreg:$0x7];
	[sflag:s18] =	ssyncadd.s32 $0xFFFFFFB0  }
0x22: {  	[tilespmem:s20], [sflag:$0x4] =	stream.linear.gather [hbm4b:s7+s4], $0x80, $0x38;
	[tilespmem:$0x1EB00] =	vst v63  }
0x23: {  	_ =	swait.ge [sflag:s18], $0x80  }
0x24: {  	[sflag:s18] =	ssyncset.done $0x0  }
0x25: {  	[sflag:s18] =	ssyncadd.s32 $0xFFFFFF80  }
0x26: {  	[bflag:$0x0] =	sbarrier.arrive $0xFFFF  }
0x27: {  	s8 =	rddreg [dreg:$0x8]  }
0x28: {  	[tilespmem:s4], [sflag:$0x4] =	stream.linear.gather [hbm4b:s8+s4], $0x1400, $0x38;
	[tilespmem:$0x1EB00] =	vst v63  }
0x29: {  	_ =	swait.ge [sflag:s18], $0x1400  }
0x2a: {  	[sflag:s18] =	ssyncset.done $0x0  }
0x2b: {  	s0 =	simm.s32 $0x1400;
	[sflag:s18] =	ssyncadd.s32 $0xFFFFEC00  }
0x2c: {  	[tilespmem:s0], [sflag:$0x4] =	stream.linear.gather [hbm4b:s11+s4], $0x1400, $0x38;
	[tilespmem:$0x1EB00] =	vst v63  }
0x2d: {  	_ =	swait.ge [sflag:s18], $0x1400  }
0x2e: {  	[sflag:s18] =	ssyncset.done $0x0  }
0x2f: {  	s3 =	simm.s32 $0x0;
	[sflag:s18] =	ssyncadd.s32 $0xFFFFEC00  }
0x30: {  	[tilespmem:s21], [sflag:$0x1] =	stream.indirect.gather [hbm4b:s5+s23], $0x80, s4, s23, $0xb8;
	[tilespmem:$0x1EB00] =	vst v63  }
0x31: {  	s29 =	simm.s32 $0x10000;
	s3 =	sand.u32 $0x10000, s3;
	_ =	swait.ge [sflag:s22], $0x4000  }
0x32: {  	s29 =	sand.u32 $0x10000, s29;
	s3 =	sshrl.u32 s3, $0x2;
	[sflag:s22] =	ssyncset.done $0x0  }
0x33: {  	s10 =	sshrl.u32 s29, $0x2;
	s3 =	sor.u32 $0x2800, s3;
	[sflag:s22] =	ssyncadd.s32 $0xFFFFC000  }
0x34: {  	[spmem:s1] =	stream.indirect.scatter.add.f32 [tilespmem:s3], [sflag:$0x2], $0x80, s0, s23, $0xb8;
	[tilespmem:$0x1EB00] =	vst v63  }
0x35: {  	s3 =	sor.u32 $0x2800, s10  }
0x36: {  	[tilespmem:s3], [sflag:$0x1] =	stream.indirect.gather [hbm4b:s5+s23], $0x80, s23, s23, $0xb8;
	[tilespmem:$0x1EB00] =	vst v63  }
0x37: {  	s30 =	simm.s32 $0x20000;
	s29 =	simm.s32 $0x1400;
	s3 =	simm.s32 $0x100  }
.LBB2_2:
0x38: {  	s6 =	sadd.s32 $0xFFFF0000, s30;
	s0 =	sadd.s32 $0x80, s0;
	s7 =	smov.u32 s30  }
0x39: {  	s8 =	sadd.s32 $0x10000, s30;
	s10 =	smov.u32 s3;
	p0 =	sne.s32 s30, $0x270000  }
0x3a: {  	[spmem:s2] =	stream.indirect.scatter.add.f32 [tilespmem:s20], [sflag:$0x3], $0x1, s29, s23, $0xb8;
	[tilespmem:$0x1EB00] =	vst v63  }
0x3b: {  	s6 =	sand.u32 $0x10000, s6;
	s29 =	smov.u32 s0;
	_ =	swait.ge [sflag:s22], $0x4000  }
0x3c: {  	s7 =	sand.u32 $0x10000, s7;
	s6 =	sshrl.u32 s6, $0x2;
	[sflag:s22] =	ssyncset.done $0x0  }
.Ltmp0:
0x3d: {  	s6 =	sor.u32 $0x2800, s6;
	[sflag:s22] =	ssyncadd.s32 $0xFFFFC000;
	(pc) =	sbr.rel @p0 .LBB2_2-.Ltmp0, $4  }
0x3e: {  	[spmem:s1] =	stream.indirect.scatter.add.f32 [tilespmem:s6], [sflag:$0x2], $0x80, s0, s23, $0xb8;
	[tilespmem:$0x1EB00] =	vst v63  }
0x3f: {  	s6 =	sshrl.u32 s7, $0x2  }
0x40: {  	s3 =	sadd.s32 $0x80, s3;
	s30 =	smov.u32 s8;
	s6 =	sor.u32 $0x2800, s6  }
0x41: {  	[tilespmem:s6], [sflag:$0x1] =	stream.indirect.gather [hbm4b:s5+s23], $0x80, s10, s23, $0xb8;
	[tilespmem:$0x1EB00] =	vst v63  }
0x42: {  	[spmem:s2] =	stream.indirect.scatter.add.f32 [tilespmem:s20], [sflag:$0x3], $0x1, s29, s23, $0xb8;
	[tilespmem:$0x1EB00] =	vst v63  }
0x43: {  	_ =	swait.ge [sflag:s22], $0x4000  }
0x44: {  	[sflag:s22] =	ssyncset.done $0x0  }
0x45: {  	s3 =	simm.s32 $0x80;
	[sflag:s22] =	ssyncadd.s32 $0xFFFFC000  }
0x46: {  	[spmem:s1] =	stream.indirect.scatter.add.f32 [tilespmem:s25], [sflag:$0x2], $0x80, s24, s3, $0xb8;
	[tilespmem:$0x1EB00] =	vst v63  }
0x47: {  	_ = 	snop  }
0x48: {  	[spmem:s2] =	stream.indirect.scatter.add.f32 [tilespmem:s20], [sflag:$0x3], $0x1, s24, s3, $0xb8;
	[tilespmem:$0x1EB00] =	vst v63  }
0x49: {  	_ =	swait.ge [sflag:s26], $0x14000  }
0x4a: {  	[sflag:s26] =	ssyncset.done $0x0  }
0x4b: {  	[sflag:s26] =	ssyncadd.s32 $0xFFFEC000  }
0x4c: {  	_ =	swait.ge [sflag:s28], $0x1400  }
0x4d: {  	[sflag:s28] =	ssyncset.done $0x0  }
0x4e: {  	[sflag:s28] =	ssyncadd.s32 $0xFFFFEC00  }
0x4f: {  	[tilespmem:s4], [sflag:$0x4] =	stream.linear.gather [hbm4b:s12+s4], $0x1400, $0x38;
	[tilespmem:$0x1EB00] =	vst v63  }
0x50: {  	_ =	swait.ge [sflag:s18], $0x1400  }
0x51: {  	[sflag:s18] =	ssyncset.done $0x0  }
0x52: {  	s0 =	simm.s32 $0x1400;
	[sflag:s18] =	ssyncadd.s32 $0xFFFFEC00  }
0x53: {  	[tilespmem:s0], [sflag:$0x4] =	stream.linear.gather [hbm4b:s13+s4], $0x1400, $0x38;
	[tilespmem:$0x1EB00] =	vst v63  }
0x54: {  	_ =	swait.ge [sflag:s18], $0x1400  }
0x55: {  	[sflag:s18] =	ssyncset.done $0x0  }
0x56: {  	s6 =	simm.s32 $0x0;
	[sflag:s18] =	ssyncadd.s32 $0xFFFFEC00  }
0x57: {  	[tilespmem:s21], [sflag:$0x1] =	stream.indirect.gather [hbm4b:s5+s3], $0x80, s4, s3, $0xb8;
	[tilespmem:$0x1EB00] =	vst v63  }
0x58: {  	s7 =	simm.s32 $0x10000;
	s6 =	sand.u32 $0x10000, s6;
	_ =	swait.ge [sflag:s22], $0x4000  }
0x59: {  	s7 =	sand.u32 $0x10000, s7;
	s6 =	sshrl.u32 s6, $0x2;
	[sflag:s22] =	ssyncset.done $0x0  }
0x5a: {  	s10 =	sshrl.u32 s7, $0x2;
	s6 =	sor.u32 $0x2800, s6;
	[sflag:s22] =	ssyncadd.s32 $0xFFFFC000  }
0x5b: {  	[spmem:s1] =	stream.indirect.scatter.add.f32 [tilespmem:s6], [sflag:$0x2], $0x80, s0, s23, $0xb8;
	[tilespmem:$0x1EB00] =	vst v63  }
0x5c: {  	s6 =	sor.u32 $0x2800, s10  }
0x5d: {  	[tilespmem:s6], [sflag:$0x1] =	stream.indirect.gather [hbm4b:s5+s23], $0x80, s3, s23, $0xb8;
	[tilespmem:$0x1EB00] =	vst v63  }
0x5e: {  	s30 =	simm.s32 $0x20000;
	s29 =	simm.s32 $0x1400;
	s3 =	simm.s32 $0x100  }
.LBB2_4:
0x5f: {  	s6 =	sadd.s32 $0xFFFF0000, s30;
	s0 =	sadd.s32 $0x80, s0;
	s7 =	smov.u32 s30  }
0x60: {  	s8 =	sadd.s32 $0x10000, s30;
	s10 =	smov.u32 s3;
	p0 =	sne.s32 s30, $0x270000  }
0x61: {  	[spmem:s2] =	stream.indirect.scatter.add.f32 [tilespmem:s20], [sflag:$0x3], $0x1, s29, s23, $0xb8;
	[tilespmem:$0x1EB00] =	vst v63  }
0x62: {  	s6 =	sand.u32 $0x10000, s6;
	s29 =	smov.u32 s0;
	_ =	swait.ge [sflag:s22], $0x4000  }
0x63: {  	s7 =	sand.u32 $0x10000, s7;
	s6 =	sshrl.u32 s6, $0x2;
	[sflag:s22] =	ssyncset.done $0x0  }
.Ltmp1:
0x64: {  	s6 =	sor.u32 $0x2800, s6;
	[sflag:s22] =	ssyncadd.s32 $0xFFFFC000;
	(pc) =	sbr.rel @p0 .LBB2_4-.Ltmp1, $4  }
0x65: {  	[spmem:s1] =	stream.indirect.scatter.add.f32 [tilespmem:s6], [sflag:$0x2], $0x80, s0, s23, $0xb8;
	[tilespmem:$0x1EB00] =	vst v63  }
0x66: {  	s6 =	sshrl.u32 s7, $0x2  }
0x67: {  	s3 =	sadd.s32 $0x80, s3;
	s30 =	smov.u32 s8;
	s6 =	sor.u32 $0x2800, s6  }
0x68: {  	[tilespmem:s6], [sflag:$0x1] =	stream.indirect.gather [hbm4b:s5+s23], $0x80, s10, s23, $0xb8;
	[tilespmem:$0x1EB00] =	vst v63  }
0x69: {  	[spmem:s2] =	stream.indirect.scatter.add.f32 [tilespmem:s20], [sflag:$0x3], $0x1, s29, s23, $0xb8;
	[tilespmem:$0x1EB00] =	vst v63  }
0x6a: {  	_ =	swait.ge [sflag:s22], $0x4000  }
0x6b: {  	[sflag:s22] =	ssyncset.done $0x0  }
0x6c: {  	[sflag:s22] =	ssyncadd.s32 $0xFFFFC000  }
0x6d: {  	[spmem:s1] =	stream.indirect.scatter.add.f32 [tilespmem:s25], [sflag:$0x2], $0x80, s24, s23, $0xb8;
	[tilespmem:$0x1EB00] =	vst v63  }
0x6e: {  	_ = 	snop  }
0x6f: {  	[spmem:s2] =	stream.indirect.scatter.add.f32 [tilespmem:s20], [sflag:$0x3], $0x1, s24, s23, $0xb8;
	[tilespmem:$0x1EB00] =	vst v63  }
0x70: {  	_ =	swait.ge [sflag:s26], $0x14000  }
0x71: {  	[sflag:s26] =	ssyncset.done $0x0  }
0x72: {  	[sflag:s26] =	ssyncadd.s32 $0xFFFEC000  }
0x73: {  	_ =	swait.ge [sflag:s28], $0x1400  }
0x74: {  	[sflag:s28] =	ssyncset.done $0x0  }
0x75: {  	[sflag:s28] =	ssyncadd.s32 $0xFFFFEC00  }
0x76: {  	[bflag:$0x0] =	sbarrier.arrive $0xFFFF  }
0x77: {  	[hbm:s14], [sflag:s9] =	dma.local [spmem:s17], $0x2800  }
0x78: {  	s31 =	sadd.s32 $0x1, s31;
	_ =	swait.ge [sflag:s18], $0x2800  }
0x79: {  	s0 =	simm.s32 $0x20;
	p0 =	sne.s32 s31, s16;
	[sflag:s18] =	ssyncset.done $0x0  }
.Ltmp2:
0x7a: {  	s3 =	simm.s32 $0x10;
	[sflag:s18] =	ssyncadd.s32 $0xFFFFD800;
	(pc) =	sbr.rel @p0 .LBB2_1-.Ltmp2, $4  }
0x7b: {  	[hbm:s15@s0], [sflag:s9] =	dma.strided [spmem:s19@s3], $0x50, s22, $0x10   }
0x7c: {  	_ =	swait.ge [sflag:s18], $0x50  }
0x7d: {  	[sflag:s18] =	ssyncset.done $0x0  }
0x7e: {  	[sflag:s18] =	ssyncadd.s32 $0xFFFFFFB0  }
0x7f: {  	_ =	sfence.sel $0x180000  }
0x80: {  	[bflag:$0x0] =	sbarrier.arrive $0xFFFF  }
0x81: {  	_ =	strace $0x90000047  }
0x82: {  	s0 =	stileid.u32;
	[bflag:$0x2] =	sbarrier.arrive $0xFFFF  }
0x83: {  	p0 =	sne.s32 s0, $0x0;
	s0 =	rddreg [dreg:$0x4]  }
0x84: {  	s0 =	sadd.s32 @!p0 $0x100000, s0  }
0x85: {  	[sflag:s0] =	ssyncadd.tile.s32 @!p0 $0x1;
	_ =	shalt  }
.Lfunc_end2:
_tile_overlayer_lowered:
.L_overlay_start_2:
0x86: {  	(tag) =	ssettag $0x2  }
0x87: {  	s0 =	rddreg [dreg:$0x0];
	s2 =	stileid.u32  }
0x88: {  	s1 =	rddreg [dreg:$0x1];
	p0 =	sne.s32 s2, $0x0  }
0x89: {  	s3 =	rddreg [dreg:$0x2];
	[bflag:$0x3] =	sbarrier.arrive $0xFFFF;
	s2 =	simm.s32 @!p0 $0x1C04  }
0x8a: {  	[timem:s3], [sflag:s2] =	dma.local @!p0 [hbm:s0], s1  }
0x8b: {  	s0 =	simm.s32 @!p0 $0x4  }
0x8c: {  	_ =	swait.ge @!p0 [sflag:s0], s1  }
0x8d: {  	s1 =	ssub.s32 @!p0 $0x0, s1;
	[sflag:s0] =	ssyncset.done @!p0 $0x0  }
0x8e: {  	[sflag:s0] =	ssyncadd.s32 @!p0 s1  }
0x8f: {  	[bflag:$0x3] =	sbarrier.arrive $0xFFFF  }
0x90: {  	_ =	shalt  }

// kernel: kernel.9.cloned.1.call-start
scs
__scs_entry_jumppad:
0x0: {  	(pc) =	sbr.rel $0x88, $3  }
0x1: {  	(tag) =	ssettag $0x0;
	lr =	simm.s32 $0x1  }
0x2: {  	[smem:$0x3F99] =	sst lr;
	_ =	strace $0xD0000000  }
0x3: {  	_ = 	snop  }
0x4: {  	_ = 	snop  }
0x5: {  	_ = 	snop  }
0x6: {  	_ = 	snop  }
0x7: {  	_ = 	snop  }
__scs_overlays_trampoline_lowered:
0x8: {  	[smem:$0x3FA8] =	sst s0  }
0x9: {  	[smem:$0x3FA9] =	sst s1  }
0xa: {  	[smem:$0x3FAA] =	sst s2  }
0xb: {  	[smem:$0x3FAB] =	sst s3  }
0xc: {  	[smem:$0x3FAC] =	sst s4  }
0xd: {  	[smem:$0x3FAD] =	sst s5  }
0xe: {  	[smem:$0x3FAE] =	sst s6  }
0xf: {  	[smem:$0x3FAF] =	sst s7  }
0x10: {  	[smem:$0x3FB0] =	sst s8  }
0x11: {  	[smem:$0x3FB1] =	sst s9;
	s0 =	simm.s32 @!p0 $0x0  }
0x12: {  	s1 =	sld [smem:$0x3F97];
	s0 =	simm.s32 @p0 $0x1  }
0x13: {  	[smem:$0x3FB2] =	sst s0;
	s0 =	simm.s32 @!p1 $0x0  }
0x14: {  	s2 =	sld [smem:$0x3F96];
	s0 =	simm.s32 @p1 $0x1  }
0x15: {  	[smem:$0x3FB3] =	sst s0;
	s0 =	simm.s32 @!p2 $0x0  }
0x16: {  	s3 =	sld [smem:$0x3FDB];
	s0 =	simm.s32 @p2 $0x1  }
0x17: {  	s4 =	simm.s32 $0x1BF5;
	[smem:$0x3FB5] =	sst s0  }
0x18: {  	s0 =	sld [smem:$0x3F98];
	_ =	swait.ge [sflag:s4], $0x0  }
0x19: {  	s7 =	sld [smem:$0x3F99]  }
0x1a: {  	s8 =	sadd.s32 $0xFFFFE003, lr  }
0x1b: {  	s9 =	sadd.s32 $0xFFFFFEF7, lr;
	s5 =	simm.s32 $0xFFFFFFFF;
	p2 =	slt.u32 s8, $0xFFFFF086  }
0x1c: {  	p1 =	slt.u32 s9, $0xF7A;
	s5 =	simm.s32 @!p2 $0x0  }
0x1d: {  	s5 =	simm.s32 @p1 $0x1;
	p0 =	seq.s32 s7, s2  }
0x1e: {  	s7 =	smul.u32 @!p0 $0xF7A, s2;
	p2 =	seq.s32 @!p0 s5, $0x0  }
0x1f: {  	s9 =	smul.u32 $0xF7A, s1;
	s8 =	simm.s32 @!p0 $0x1BF5;
	p2 =	por !p2, p0  }
0x20: {  	[sflag:s8] =	ssyncset.s32 @!p0 $0xFFFFF086;
	s6 =	sadd.s32 @!p0 s3, s7;
	s7 =	simm.s32 @!p0 $0x108  }
0x21: {  	s3 =	sadd.s32 s3, s9;
	s6 =	sadd.s32 @!p0 $0x88, s6;
	s7 =	simm.s32 @p2 $0x1082  }
0x22: {  	[simem:s7], [sflag:s8] =	dma.local @!p0 [hbm:s6], $0xF7A  }
0x23: {  	s9 =	sor.u32 $0xD0000000, s2;
	s6 =	simm.s32 $0x108;
	_ =	swait.ge @!p0 [sflag:s8], $0x0  }
0x24: {  	s3 =	sadd.s32 $0x88, s3;
	s6 =	simm.s32 @!p1 $0x1082;
	[sflag:s4] =	ssyncset.s32 $0xFFFFF086  }
0x25: {  	[simem:s6], [sflag:s4] =	dma.local [hbm:s3], $0xF7A  }
0x26: {  	[smem:$0x3F99] =	sst s1;
	(tag) =	ssettag s2;
	_ =	strace s9  }
0x27: {  	s1 =	sld [smem:$0x3FA9]  }
0x28: {  	s2 =	sld [smem:$0x3FAA]  }
0x29: {  	s4 =	sld [smem:$0x3FAC]  }
0x2a: {  	p0 =	seq.s32 s5, $0x0;
	s5 =	sld [smem:$0x3FAD]  }
0x2b: {  	s6 =	sld [smem:$0x3FAE]  }
0x2c: {  	s7 =	sld [smem:$0x3FAF]  }
0x2d: {  	s3 =	simm.s32 $0x108;
	s8 =	sld [smem:$0x3FB0]  }
0x2e: {  	s3 =	simm.s32 @!p0 $0x1082;
	s9 =	sld [smem:$0x3FB1]  }
0x2f: {  	lr =	sadd.s32 s0, s3;
	s0 =	sld [smem:$0x3FA8]  }
0x30: {  	s3 =	sld [smem:$0x3FAB]  }
0x31: {  	[smem:$0x3FB4] =	sst s10  }
0x32: {  	s10 =	sld [smem:$0x3FB2];
	_ =	sdelay $0x3  }
0x33: {  	p0 =	seq.s32 s10, $0x1;
	s10 =	sld [smem:$0x3FB4];
	_ =	sdelay $0x3  }
0x34: {  	[smem:$0x3FB4] =	sst s10  }
0x35: {  	s10 =	sld [smem:$0x3FB3];
	_ =	sdelay $0x3  }
0x36: {  	p1 =	seq.s32 s10, $0x1;
	s10 =	sld [smem:$0x3FB4];
	_ =	sdelay $0x3  }
0x37: {  	[smem:$0x3FB4] =	sst s10  }
0x38: {  	s10 =	sld [smem:$0x3FB5]  }
0x39: {  	_ = 	snop;
	(pc) =	sbr.ind lr, $3  }
0x3a: {  	_ = 	snop  }
0x3b: {  	_ = 	snop  }
0x3c: {  	p2 =	seq.s32 s10, $0x1;
	s10 =	sld [smem:$0x3FB4]  }
0x3d: {  	_ =	shalt  }
0x3e: {  	_ =	shalt  }
0x3f: {  	_ =	shalt  }
0x40: {  	_ =	shalt  }
0x41: {  	_ =	shalt  }
0x42: {  	_ =	shalt  }
0x43: {  	_ =	shalt  }
0x44: {  	_ =	shalt  }
0x45: {  	_ =	shalt  }
0x46: {  	_ =	shalt  }
0x47: {  	_ =	shalt  }
0x48: {  	_ =	shalt  }
0x49: {  	_ =	shalt  }
0x4a: {  	_ =	shalt  }
0x4b: {  	_ =	shalt  }
0x4c: {  	_ =	shalt  }
0x4d: {  	_ =	shalt  }
0x4e: {  	_ =	shalt  }
0x4f: {  	_ =	shalt  }
0x50: {  	_ =	shalt  }
0x51: {  	_ =	shalt  }
0x52: {  	_ =	shalt  }
0x53: {  	_ =	shalt  }
0x54: {  	_ =	shalt  }
0x55: {  	_ =	shalt  }
0x56: {  	_ =	shalt  }
0x57: {  	_ =	shalt  }
0x58: {  	_ =	shalt  }
0x59: {  	_ =	shalt  }
0x5a: {  	_ =	shalt  }
0x5b: {  	_ =	shalt  }
0x5c: {  	_ =	shalt  }
0x5d: {  	_ =	shalt  }
0x5e: {  	_ =	shalt  }
0x5f: {  	_ =	shalt  }
0x60: {  	_ =	shalt  }
0x61: {  	_ =	shalt  }
0x62: {  	_ =	shalt  }
0x63: {  	_ =	shalt  }
0x64: {  	_ =	shalt  }
0x65: {  	_ =	shalt  }
0x66: {  	_ =	shalt  }
0x67: {  	_ =	shalt  }
0x68: {  	_ =	shalt  }
0x69: {  	_ =	shalt  }
0x6a: {  	_ =	shalt  }
0x6b: {  	_ =	shalt  }
0x6c: {  	_ =	shalt  }
0x6d: {  	_ =	shalt  }
0x6e: {  	_ =	shalt  }
0x6f: {  	_ =	shalt  }
0x70: {  	_ =	shalt  }
0x71: {  	_ =	shalt  }
0x72: {  	_ =	shalt  }
0x73: {  	_ =	shalt  }
0x74: {  	_ =	shalt  }
0x75: {  	_ =	shalt  }
0x76: {  	_ =	shalt  }
0x77: {  	_ =	shalt  }
0x78: {  	_ =	shalt  }
0x79: {  	_ =	shalt  }
0x7a: {  	_ =	shalt  }
0x7b: {  	_ =	shalt  }
0x7c: {  	_ =	shalt  }
0x7d: {  	_ =	shalt  }
0x7e: {  	_ =	shalt  }
0x7f: {  	_ =	shalt  }
0x80: {  	_ =	shalt  }
0x81: {  	_ =	shalt  }
0x82: {  	_ =	shalt  }
0x83: {  	_ =	shalt  }
0x84: {  	_ =	shalt  }
0x85: {  	_ =	shalt  }
0x86: {  	_ =	shalt  }
0x87: {  	_ =	shalt  }
.Lfunc_end0:
.L_simem_size_0:
called_computation.1_lowered:
.L_overlay_start_0:
0x88: {  	s2 =	sld [smem:$0x3FD9]  }
0x89: {  	s3 =	sld [smem:$0x3FFE];
	_ =	sdelay $0x1  }
0x8a: {  	s1 =	srdreg.scid  }
0x8b: {  	s0 =	sand.u32 $0x1, s1  }
0x8c: {  	s17 =	sshll.u32 s0, $0xA;
	s2 =	sadd.s32 s3, s2  }
0x8d: {  	s2 =	sadd.s32 s2, s17  }
0x8e: {  	[smem:$0x3FC0] =	sst s2  }
0x8f: {  	_ = 	snop  }
0x90: {  	s2 =	sld [smem:$0x3FD0];
	(tm) =	ssettm $0x1  }
0x91: {  	s18 =	sld [smem:$0x3FFB];
	_ =	sdelay $0x3  }
0x92: {  	_ =	strace s18  }
0x93: {  	s3 =	sld [smem:$0x3FFC];
	_ =	sdelay $0x3  }
0x94: {  	_ =	strace s3  }
0x95: {  	s3 =	sld [smem:$0x3FFD];
	_ =	sdelay $0x3  }
0x96: {  	_ =	strace s3  }
0x97: {  	_ =	strace $0x8FFFFFFF  }
0x98: {  	s19 =	sld [smem:$0x3FDB];
	_ =	sdelay $0x1  }
0x99: {  	s4 =	simm.s32 $_scs_section_size  }
0x9a: {  	s5 =	simm.s32 $_size__tile_overlayer_lowered;
	s6 =	simm.s32 $_tile_overlayer_lowered  }
0x9b: {  	s22 =	simm.s32 $0x1BFF;
	s21 =	sshll.u32 s6, $0x1;
	s3 =	sadd.s32 s4, s19  }
0x9c: {  	s7 =	simm.s32 $0x0;
	s20 =	sshll.u32 s5, $0x1;
	s5 =	sadd.s32 s21, s3  }
0x9d: {  	[timem:s7], [sflag:s22] =	dma.local [hbm:s5], s20  }
0x9e: {  	_ =	swait.ge [sflag:s22], s20  }
0x9f: {  	s4 =	ssub.s32 $0x0, s20;
	[sflag:s22] =	ssyncset.done $0x0  }
0xa0: {  	[sflag:s22] =	ssyncadd.s32 s4;
	_ =	sdelay $0x1  }
0xa1: {  	s23 =	simm.s32 $0x1B8B  }
0xa2: {  	_ =	swait.ge [sflag:s23], $0x1  }
0xa3: {  	[sflag:s23] =	ssyncset.done $0x0  }
0xa4: {  	s25 =	simm.s32 $0x1B8E;
	s24 =	sld [smem:$0x3FFE];
	[sflag:s23] =	ssyncadd.s32 $0xFFFFFFFF  }
0xa5: {  	s26 =	simm.s32 $execute0_lowered;
	[smem:$0x3FD2] =	sst s25  }
0xa6: {  	s5 =	sshll.u32 s26, $0x1;
	_ =	strace $0x80000049;
	[dreg:$0x1] =	wrdreg $0xFFFFFFFF  }
0xa7: {  	s28 =	simm.s32 $_size_execute0_lowered;
	s3 =	sadd.s32 s3, s5;
	[dreg:$0x0] =	wrdreg $0x0  }
0xa8: {  	s5 =	sshll.u32 s28, $0x1;
	[dreg:$0x2] =	wrdreg s3  }
0xa9: {  	[dreg:$0x3] =	wrdreg s5  }
0xaa: {  	[dreg:$0x4] =	wrdreg $0xC0  }
0xab: {  	_ =	task [dreg:s7], $0x5FFFF  }
0xac: {  	[dreg:$0x1] =	wrdreg $0xFFFFFFFF  }
0xad: {  	[dreg:$0x0] =	wrdreg $0x60  }
0xae: {  	[dreg:$0x2] =	wrdreg s24  }
0xaf: {  	[dreg:$0x3] =	wrdreg s2  }
0xb0: {  	[dreg:$0x4] =	wrdreg $0xA8000  }
0xb1: {  	[dreg:$0x5] =	wrdreg $0x9  }
0xb2: {  	_ =	task.clear_ibuf [dreg:s7], $0x6FFFF;
	_ =	strace $0x90000049  }
0xb3: {  	s29 =	simm.s32 $0x9;
	_ =	strace $0x8000004B  }
0xb4: {  	_ =	swait.ge [sflag:s29], $0x1  }
0xb5: {  	[sflag:s29] =	ssyncadd.s32 $0xFFFFFFFF  }
0xb6: {  	_ =	strace $0x9000004B  }
0xb7: {  	_ =	sfence  }
0xb8: {  	s30 =	sld [smem:$0x0];
	_ =	sdelay $0x2  }
0xb9: {  	s31 =	sshll.u32 s1, $0xD;
	s1 =	sshrl.u32 s1, $0x2  }
0xba: {  	s3 =	sand.u32 $0x4000, s31;
	s1 =	sadd.s32 s1, s30  }
0xbb: {  	s0 =	sor.u32 s3, s0;
	s1 =	sshll.u32 s1, $0x11  }
0xbc: {  	s0 =	sor.u32 s1, s0  }
0xbd: {  	s0 =	sadd.s32 $0x8F2B, s0  }
0xbe: {  	[sflag:s0] =	ssyncadd.remote.s32 $0x1  }
0xbf: {  	_ =	sfence.sel $0xFFFF  }
0xc0: {  	[dreg:$0x0] =	wrdreg $0xFFFFFFFF;
	(pc) =	sbr.abs _section_cstart, $3  }
0xc1: {  	[dreg:$0x1] =	wrdreg $0xFFFFFFFF  }
0xc2: {  	_ =	task.clear_ibuf [dreg:s7], $0x2FFFF;
	_ =	strace $0x9FFFFFFF  }
0xc3: {  	(tm) =	ssettm $0x7FFFFFFF  }
tec
execute0_lowered:
.L_overlay_start_1:
0x0: {  	(tag) =	ssettag $0x1  }
0x1: {  	s6 =	rddreg [dreg:$0x0]  }
0x2: {  	s9 =	rddreg [dreg:$0x1]  }
0x3: {  	s1 =	rddreg [dreg:$0x2];
	s2 =	srdreg.scid  }
0x4: {  	s0 =	rddreg [dreg:$0x3];
	s3 =	simm.s32 $0x0;
	s15 =	simm.s32 $0x2800  }
0x5: {  	s16 =	simm.s32 $0x1;
	s17 =	simm.s32 $0x80;
	s18 =	simm.s32 $0x2780  }
0x6: {  	s19 =	simm.s32 $0x6800;
	s20 =	simm.s32 $0x2;
	s21 =	simm.s32 $0x0  }
0x7: {  	s5 =	sand.u32 $0x1, s2;
	s2 =	stileid.u32;
	[smem:$0x7FF] =	sst s3  }
0x8: {  	s4 =	sadd.s32 $0xC800, s6;
	s10 =	sadd.s32 $0x2800, s6;
	s7 =	smul.u32 $0x140000, s5  }
0x9: {  	s8 =	smul.u32 $0x14000, s2;
	_ =	strace $0x8000004A;
	s23 =	sshll.u32 s5, $0x4  }
0xa: {  	s11 =	ssub.s32 $0x2, s5;
	s25 =	smul.u32 $0x50000, s2;
	s5 =	sadd.s32 $0x34800, s6  }
0xb: {  	s28 =	sshll.u32 s2, $0x6;
	s24 =	sor.u32 s2, s23;
	s12 =	sshrl.u32 s11, $0x1  }
0xc: {  	s7 =	sadd.s32 s8, s7;
	s13 =	smul.u32 $0x2800, s24;
	s26 =	sshrl.u32 s25, $0x2  }
0xd: {  	s12 =	ssub.s32 s11, s12;
	s7 =	sshrl.u32 s7, $0x3;
	s30 =	sadd.s32 s26, s1  }
0xe: {  	s12 =	smax.u32 s12, $0x1;
	s14 =	sadd.s32 s7, s6;
	s29 =	sshrl.u32 s13, $0x3  }
0xf: {  	s6 =	sor.u32 $0x1C03, s28;
	s13 =	sshrl.u32 s30, $0x3;
	s31 =	sadd.s32 $0x280, s29  }
0x10: {  	s7 =	sadd.s32 s9, s29;
	s8 =	sadd.s32 s10, s29;
	s11 =	sadd.s32 $0x37400, s14  }
0x11: {  	s14 =	simm.s32 $0x3;
	s9 =	sadd.s32 s9, s31;
	s10 =	sadd.s32 s10, s31  }
.LBB2_1:
0x12: {  	[spmem:s13], [sflag:s6] =	dma.local [hbm:s5], $0x2800  }
0x13: {  	_ =	swait.ge [sflag:s14], $0x2800  }
0x14: {  	[sflag:s14] =	ssyncset.done $0x0  }
0x15: {  	[sflag:s14] =	ssyncadd.s32 $0xFFFFD800  }
0x16: {  	[bflag:$0x0] =	sbarrier.arrive $0xFFFF  }
0x17: {  	[tilespmem:s3], [sflag:$0x3] =	stream.linear.gather [hbm4b:s7+s3], $0x1400, $0x38;
	[tilespmem:$0x1E800] =	vst v63  }
0x18: {  	_ =	swait.ge [sflag:s14], $0x1400  }
0x19: {  	[sflag:s14] =	ssyncset.done $0x0  }
0x1a: {  	s22 =	simm.s32 $0x1400;
	[sflag:s14] =	ssyncadd.s32 $0xFFFFEC00  }
0x1b: {  	[tilespmem:s22], [sflag:$0x3] =	stream.linear.gather [hbm4b:s8+s3], $0x1400, $0x38;
	[tilespmem:$0x1E800] =	vst v63  }
0x1c: {  	_ =	swait.ge [sflag:s14], $0x1400  }
0x1d: {  	[sflag:s14] =	ssyncset.done $0x0  }
0x1e: {  	s23 =	simm.s32 $0x0;
	[sflag:s14] =	ssyncadd.s32 $0xFFFFEC00  }
0x1f: {  	[tilespmem:s15], [sflag:$0x1] =	stream.indirect.gather [hbm4b:s4+s17], $0x80, s3, s17, $0xb8;
	[tilespmem:$0x1E800] =	vst v63  }
0x20: {  	s24 =	simm.s32 $0x10000;
	s23 =	sand.u32 $0x10000, s23;
	_ =	swait.ge [sflag:s16], $0x4000  }
0x21: {  	s24 =	sand.u32 $0x10000, s24;
	s23 =	sshrl.u32 s23, $0x2;
	[sflag:s16] =	ssyncset.done $0x0  }
0x22: {  	s24 =	sshrl.u32 s24, $0x2;
	s23 =	sor.u32 $0x2800, s23;
	[sflag:s16] =	ssyncadd.s32 $0xFFFFC000  }
0x23: {  	[spmem:s1] =	stream.indirect.scatter.add.f32 [tilespmem:s23], [sflag:$0x2], $0x80, s22, s17, $0xb8;
	[tilespmem:$0x1E800] =	vst v63  }
0x24: {  	s25 =	simm.s32 $0x20000;
	s26 =	simm.s32 $0x10000;
	s31 =	sor.u32 $0x2800, s24  }
0x25: {  	[tilespmem:s31], [sflag:$0x1] =	stream.indirect.gather [hbm4b:s4+s17], $0x80, s17, s17, $0xb8;
	[tilespmem:$0x1E800] =	vst v63  }
0x26: {  	s24 =	simm.s32 $0x30000;
	s23 =	simm.s32 $0x80;
	_ =	swait.ge [sflag:s16], $0x4000  }
.LBB2_2:
0x27: {  	p0 =	sne.s32 s24, $0x270000  }
0x28: {  	s26 =	sand.u32 $0x10000, s26;
	s22 =	sadd.s32 $0x80, s22;
	s25 =	sand.u32 $0x10000, s25  }
0x29: {  	s26 =	sshrl.u32 s26, $0x2;
	[sflag:s16] =	ssyncset.done $0x0;
	s25 =	sshrl.u32 s25, $0x2  }
.Ltmp0:
0x2a: {  	s26 =	sor.u32 $0x2800, s26;
	[sflag:s16] =	ssyncadd.s32 $0xFFFFC000;
	(pc) =	sbr.rel @p0 .LBB2_2-.Ltmp0, $4  }
0x2b: {  	[spmem:s1] =	stream.indirect.scatter.add.f32 [tilespmem:s26], [sflag:$0x2], $0x80, s22, s17, $0xb8;
	[tilespmem:$0x1E800] =	vst v63  }
0x2c: {  	s23 =	sadd.s32 $0x80, s23;
	s26 =	sor.u32 $0x2800, s25;
	s25 =	smov.u32 s24  }
0x2d: {  	[tilespmem:s26], [sflag:$0x1] =	stream.indirect.gather [hbm4b:s4+s17], $0x80, s23, s17, $0xb8;
	[tilespmem:$0x1E800] =	vst v63  }
0x2e: {  	s24 =	sadd.s32 $0x10000, s24;
	s26 =	sadd.s32 $0xFFFF0000, s25;
	_ =	swait.ge [sflag:s16], $0x4000  }
0x2f: {  	s24 =	sand.u32 $0x10000, s26;
	s22 =	sadd.s32 $0x80, s22  }
0x30: {  	[sflag:s16] =	ssyncset.done $0x0;
	s25 =	sand.u32 $0x10000, s25;
	s24 =	sshrl.u32 s24, $0x2  }
0x31: {  	[sflag:s16] =	ssyncadd.s32 $0xFFFFC000;
	s25 =	sshrl.u32 s25, $0x2;
	s24 =	sor.u32 $0x2800, s24  }
0x32: {  	[spmem:s1] =	stream.indirect.scatter.add.f32 [tilespmem:s24], [sflag:$0x2], $0x80, s22, s17, $0xb8;
	[tilespmem:$0x1E800] =	vst v63  }
0x33: {  	s23 =	sadd.s32 $0x80, s23;
	s28 =	sor.u32 $0x2800, s25  }
0x34: {  	[tilespmem:s28], [sflag:$0x1] =	stream.indirect.gather [hbm4b:s4+s17], $0x80, s23, s17, $0xb8;
	[tilespmem:$0x1E800] =	vst v63  }
0x35: {  	_ =	swait.ge [sflag:s16], $0x4000  }
0x36: {  	[sflag:s16] =	ssyncset.done $0x0  }
0x37: {  	s22 =	simm.s32 $0x80;
	[sflag:s16] =	ssyncadd.s32 $0xFFFFC000  }
0x38: {  	[spmem:s1] =	stream.indirect.scatter.add.f32 [tilespmem:s19], [sflag:$0x2], $0x80, s18, s22, $0xb8;
	[tilespmem:$0x1E800] =	vst v63  }
0x39: {  	_ =	swait.ge [sflag:s20], $0x14000  }
0x3a: {  	[sflag:s20] =	ssyncset.done $0x0  }
0x3b: {  	[sflag:s20] =	ssyncadd.s32 $0xFFFEC000  }
0x3c: {  	[tilespmem:s3], [sflag:$0x3] =	stream.linear.gather [hbm4b:s9+s3], $0x1400, $0x38;
	[tilespmem:$0x1E800] =	vst v63  }
0x3d: {  	_ =	swait.ge [sflag:s14], $0x1400  }
0x3e: {  	[sflag:s14] =	ssyncset.done $0x0  }
0x3f: {  	s23 =	simm.s32 $0x1400;
	[sflag:s14] =	ssyncadd.s32 $0xFFFFEC00  }
0x40: {  	[tilespmem:s23], [sflag:$0x3] =	stream.linear.gather [hbm4b:s10+s3], $0x1400, $0x38;
	[tilespmem:$0x1E800] =	vst v63  }
0x41: {  	_ =	swait.ge [sflag:s14], $0x1400  }
0x42: {  	[sflag:s14] =	ssyncset.done $0x0  }
0x43: {  	s29 =	simm.s32 $0x0;
	[sflag:s14] =	ssyncadd.s32 $0xFFFFEC00  }
0x44: {  	[tilespmem:s15], [sflag:$0x1] =	stream.indirect.gather [hbm4b:s4+s22], $0x80, s3, s22, $0xb8;
	[tilespmem:$0x1E800] =	vst v63  }
0x45: {  	s30 =	simm.s32 $0x10000;
	s24 =	sand.u32 $0x10000, s29;
	_ =	swait.ge [sflag:s16], $0x4000  }
0x46: {  	s25 =	sand.u32 $0x10000, s30;
	s24 =	sshrl.u32 s24, $0x2;
	[sflag:s16] =	ssyncset.done $0x0  }
0x47: {  	s25 =	sshrl.u32 s25, $0x2;
	s24 =	sor.u32 $0x2800, s24;
	[sflag:s16] =	ssyncadd.s32 $0xFFFFC000  }
0x48: {  	[spmem:s1] =	stream.indirect.scatter.add.f32 [tilespmem:s24], [sflag:$0x2], $0x80, s23, s17, $0xb8;
	[tilespmem:$0x1E800] =	vst v63  }
0x49: {  	s26 =	simm.s32 $0x10000;
	s31 =	sor.u32 $0x2800, s25  }
0x4a: {  	[tilespmem:s31], [sflag:$0x1] =	stream.indirect.gather [hbm4b:s4+s17], $0x80, s22, s17, $0xb8;
	[tilespmem:$0x1E800] =	vst v63  }
0x4b: {  	s25 =	simm.s32 $0x20000;
	s24 =	simm.s32 $0x30000;
	_ =	swait.ge [sflag:s16], $0x4000  }
.LBB2_4:
0x4c: {  	p0 =	sne.s32 s24, $0x270000  }
0x4d: {  	s26 =	sand.u32 $0x10000, s26;
	s23 =	sadd.s32 $0x80, s23;
	s25 =	sand.u32 $0x10000, s25  }
0x4e: {  	s26 =	sshrl.u32 s26, $0x2;
	[sflag:s16] =	ssyncset.done $0x0;
	s25 =	sshrl.u32 s25, $0x2  }
.Ltmp1:
0x4f: {  	s26 =	sor.u32 $0x2800, s26;
	[sflag:s16] =	ssyncadd.s32 $0xFFFFC000;
	(pc) =	sbr.rel @p0 .LBB2_4-.Ltmp1, $4  }
0x50: {  	[spmem:s1] =	stream.indirect.scatter.add.f32 [tilespmem:s26], [sflag:$0x2], $0x80, s23, s17, $0xb8;
	[tilespmem:$0x1E800] =	vst v63  }
0x51: {  	s22 =	sadd.s32 $0x80, s22;
	s26 =	sor.u32 $0x2800, s25;
	s25 =	smov.u32 s24  }
0x52: {  	[tilespmem:s26], [sflag:$0x1] =	stream.indirect.gather [hbm4b:s4+s17], $0x80, s22, s17, $0xb8;
	[tilespmem:$0x1E800] =	vst v63  }
0x53: {  	s24 =	sadd.s32 $0x10000, s24;
	s26 =	sadd.s32 $0xFFFF0000, s25;
	_ =	swait.ge [sflag:s16], $0x4000  }
0x54: {  	s24 =	sand.u32 $0x10000, s26;
	s23 =	sadd.s32 $0x80, s23  }
0x55: {  	[sflag:s16] =	ssyncset.done $0x0;
	s25 =	sand.u32 $0x10000, s25;
	s24 =	sshrl.u32 s24, $0x2  }
0x56: {  	[sflag:s16] =	ssyncadd.s32 $0xFFFFC000;
	s25 =	sshrl.u32 s25, $0x2;
	s24 =	sor.u32 $0x2800, s24  }
0x57: {  	[spmem:s1] =	stream.indirect.scatter.add.f32 [tilespmem:s24], [sflag:$0x2], $0x80, s23, s17, $0xb8;
	[tilespmem:$0x1E800] =	vst v63  }
0x58: {  	s22 =	sadd.s32 $0x80, s22;
	s31 =	sor.u32 $0x2800, s25  }
0x59: {  	[tilespmem:s31], [sflag:$0x1] =	stream.indirect.gather [hbm4b:s4+s17], $0x80, s22, s17, $0xb8;
	[tilespmem:$0x1E800] =	vst v63  }
0x5a: {  	_ =	swait.ge [sflag:s16], $0x4000  }
0x5b: {  	[sflag:s16] =	ssyncset.done $0x0  }
0x5c: {  	[sflag:s16] =	ssyncadd.s32 $0xFFFFC000  }
0x5d: {  	[spmem:s1] =	stream.indirect.scatter.add.f32 [tilespmem:s19], [sflag:$0x2], $0x80, s18, s17, $0xb8;
	[tilespmem:$0x1E800] =	vst v63  }
0x5e: {  	_ =	swait.ge [sflag:s20], $0x14000  }
0x5f: {  	s21 =	sadd.s32 $0x1, s21;
	[sflag:s20] =	ssyncset.done $0x0  }
0x60: {  	p0 =	sne.s32 s21, s12;
	[sflag:s20] =	ssyncadd.s32 $0xFFFEC000  }
.Ltmp2:
0x61: {  	[bflag:$0x0] =	sbarrier.arrive $0xFFFF;
	(pc) =	sbr.rel @p0 .LBB2_1-.Ltmp2, $4  }
0x62: {  	[hbm:s11], [sflag:s6] =	dma.local [spmem:s13], $0x2800  }
0x63: {  	_ =	swait.ge [sflag:s14], $0x2800  }
0x64: {  	[sflag:s14] =	ssyncset.done $0x0  }
0x65: {  	[sflag:s14] =	ssyncadd.s32 $0xFFFFD800  }
0x66: {  	_ =	sfence.sel $0x180000  }
0x67: {  	[bflag:$0x0] =	sbarrier.arrive $0xFFFF  }
0x68: {  	p0 =	sne.s32 s2, $0x0;
	_ =	strace $0x9000004A  }
0x69: {  	s0 =	sadd.s32 @!p0 $0x100000, s0;
	[bflag:$0x2] =	sbarrier.arrive $0xFFFF  }
0x6a: {  	[sflag:s0] =	ssyncadd.tile.s32 @!p0 $0x1;
	_ =	shalt  }
.Lfunc_end2:
_tile_overlayer_lowered:
.L_overlay_start_2:
0x6b: {  	(tag) =	ssettag $0x2  }
0x6c: {  	s0 =	rddreg [dreg:$0x0];
	s2 =	stileid.u32  }
0x6d: {  	s1 =	rddreg [dreg:$0x1];
	p0 =	sne.s32 s2, $0x0  }
0x6e: {  	s3 =	rddreg [dreg:$0x2];
	[bflag:$0x3] =	sbarrier.arrive $0xFFFF;
	s2 =	simm.s32 @!p0 $0x1C03  }
0x6f: {  	[timem:s3], [sflag:s2] =	dma.local @!p0 [hbm:s0], s1  }
0x70: {  	s0 =	simm.s32 @!p0 $0x3  }
0x71: {  	_ =	swait.ge @!p0 [sflag:s0], s1  }
0x72: {  	s1 =	ssub.s32 @!p0 $0x0, s1;
	[sflag:s0] =	ssyncset.done @!p0 $0x0  }
0x73: {  	[sflag:s0] =	ssyncadd.s32 @!p0 s1  }
0x74: {  	[bflag:$0x3] =	sbarrier.arrive $0xFFFF  }
0x75: {  	_ =	shalt  }

</sc_bundles>
